<compile_context>
chip_gen: v7x
topology: tpu7x:2x2x1
jax: 0.10.2.dev20260603
libtpu: 0.0.44.dev20260713+nightly
codegen_flags: <defaults>
</compile_context>

<pallas_src>
import functools

import jax
import jax.numpy as jnp
from jax import lax
from jax.experimental import pallas as pl
from jax.experimental.pallas import tpu as pltpu
from jax.experimental.pallas import tpu_sc as plsc

V = 1000
D = 1000
DP = 1024
N = 51200
NC, NS, L = 2, 16, 16
NW = NC * NS
PER_W = N // NW
CH = 32
NCH = PER_W // CH
NB = 2
TFLAT = V * D + 8


def _lse_body(table_ref, out_ref):
    t = table_ref[...]
    m = jnp.max(t, axis=1)
    s = jnp.sum(jnp.exp(t - m[:, None]), axis=1)
    out_ref[...] = (m + jnp.log(s))[:, None]


def _compute_lse(table):
    return pl.pallas_call(
        _lse_body,
        out_shape=jax.ShapeDtypeStruct((V, 1), jnp.float32),
    )(table)


def _fin_body(cnt_ref, lse_ref, out_ref):
    c2 = jnp.sum(cnt_ref[...], axis=0)
    s1 = jax.lax.dot_general(
        c2[:, :V], lse_ref[...], (((1,), (0,)), ((), ())),
        precision=jax.lax.Precision.HIGHEST,
    )[0, 0]
    s2 = jnp.sum(c2[:, V + 8:])
    out_ref[...] = jnp.full((1, 1), (s1 - s2) / N, jnp.float32)


def _finalize(cnt, lse):
    return pl.pallas_call(
        _fin_body,
        out_shape=jax.ShapeDtypeStruct((1, 1), jnp.float32),
    )(cnt, lse)


def _gather_body(table_hbm, idx_hbm, tflat_hbm, fidx_hbm, out_hbm, cnt_hbm,
                 idx_v, rows_v, cnt_v, fidx_v, picked_v,
                 gsem0, gsem1, ssem0, ssem1, psem):
    gsems = (gsem0, gsem1)
    ssems = (ssem0, ssem1)
    wid = lax.axis_index("s") * NC + lax.axis_index("c")
    base = wid * PER_W
    pltpu.sync_copy(idx_hbm.at[pl.ds(base, PER_W)], idx_v)
    pltpu.sync_copy(fidx_hbm.at[pl.ds(base, PER_W)], fidx_v)
    pick_desc = pltpu.async_copy(tflat_hbm.at[fidx_v], picked_v, psem)

    for b in range(NB):
        pltpu.async_copy(
            table_hbm.at[idx_v.at[pl.ds(b * CH, CH)]], rows_v.at[b], gsems[b]
        )

    def zero(g, _):
        cnt_v[pl.ds(g * L, L)] = jnp.zeros((L,), jnp.float32)
        return 0

    lax.fori_loop(0, DP // L, zero, 0)

    ones = jnp.ones((L,), jnp.float32)

    def hist(g, _):
        iv = idx_v[pl.ds(g * L, L)]
        plsc.addupdate_scatter(cnt_v, [iv], ones)
        return 0

    lax.fori_loop(0, PER_W // L, hist, 0)

    def outer(o, _):
        for b in range(NB):
            c = o * NB + b
            off = c * CH
            buf = rows_v.at[b]
            pltpu.make_async_copy(
                table_hbm.at[idx_v.at[pl.ds(off, CH)]], buf, gsems[b]
            ).wait()
            sc_desc = pltpu.async_copy(
                buf, out_hbm.at[pl.ds(base + off, CH)], ssems[b]
            )
            sc_desc.wait()
            nc = c + NB

            @pl.when(nc < NCH)
            def _():
                pltpu.async_copy(
                    table_hbm.at[idx_v.at[pl.ds(nc * CH, CH)]], buf, gsems[b]
                )
        return 0

    lax.fori_loop(0, NCH // NB, outer, 0)

    pick_desc.wait()

    def red(g, acc):
        return acc + picked_v[pl.ds(g * L, L)]

    acc = lax.fori_loop(0, PER_W // L, red, jnp.zeros((L,), jnp.float32))
    cnt_v[pl.ds(V + 8, L)] = acc
    pltpu.sync_copy(cnt_v, cnt_hbm.at[wid, 0])


@functools.cache
def _gather_fn():
    mesh = plsc.VectorSubcoreMesh(
        core_axis_name="c", subcore_axis_name="s",
        num_cores=NC, num_subcores=NS,
    )
    return pl.kernel(
        _gather_body,
        out_type=(
            jax.ShapeDtypeStruct((N, DP), jnp.float32),
            jax.ShapeDtypeStruct((NW, 1, DP), jnp.float32),
        ),
        mesh=mesh,
        compiler_params=pltpu.CompilerParams(
            use_tc_tiling_on_sc=True, needs_layout_passes=False
        ),
        scratch_types=[
            pltpu.VMEM((PER_W,), jnp.int32),
            pltpu.VMEM((NB, CH, DP), jnp.float32),
            pltpu.VMEM((DP,), jnp.float32),
            pltpu.VMEM((PER_W,), jnp.int32),
            pltpu.VMEM((PER_W,), jnp.float32),
            pltpu.SemaphoreType.DMA,
            pltpu.SemaphoreType.DMA,
            pltpu.SemaphoreType.DMA,
            pltpu.SemaphoreType.DMA,
            pltpu.SemaphoreType.DMA,
        ],
    )


def kernel(idxs, targs, table):
    idx_flat = idxs.reshape(-1)
    targ_flat = targs.reshape(-1)
    fidx = idx_flat * D + targ_flat
    table_pad = jnp.pad(table, ((0, 0), (0, DP - D)))
    tflat = jnp.concatenate(
        [table.reshape(-1), jnp.zeros((TFLAT - V * D,), jnp.float32)]
    )
    lse = _compute_lse(table)
    rows_pad, cnt = _gather_fn()(table_pad, idx_flat, tflat, fidx)
    lgits2 = rows_pad[:, :D]
    loss = _finalize(cnt, lse)[0, 0]
    return (lgits2, loss)

# --- scband reference (transcript-rebuilt; emitter-appended) ---
"""Pipeline reference for scband-bi-gram-model-70514773066542 (READ-ONLY COPY).

The authoritative reference and input builder live on the scoring server;
editing this copy changes nothing except your own understanding.
"""

import jax, jax.numpy as jnp
import numpy as np

DICT_SIZE = 1000
B, T = 1024, 50


def setup_inputs(seed: int = 0) -> dict:
    key = jax.random.key(seed)
    k1, k2, k3 = jax.random.split(key, 3)
    idxs = jax.random.randint(k1, (B, T), 0, DICT_SIZE, dtype=jnp.int32)
    targs = jax.random.randint(k2, (B, T), 0, DICT_SIZE, dtype=jnp.int32)
    # learned parameter: nn.Embedding(dict_size, dict_size) weight
    table = jax.random.normal(k3, (DICT_SIZE, DICT_SIZE), dtype=jnp.float32)
    return {"idxs": idxs, "targs": targs, "table": table}


def reference(idxs, targs, table):
    # lgits = self.embeddings(idxs)
    lgits = jnp.take(table, idxs, axis=0)  # [B, T, C]
    Bv, Tv, C = lgits.shape
    lgits2 = lgits.reshape(Bv * Tv, C)
    t = targs.reshape(Bv * Tv)
    # F.cross_entropy(lgits2, t): mean of -log_softmax picked at target
    logp = jax.nn.log_softmax(lgits2, axis=-1)
    picked = jnp.take_along_axis(logp, t[:, None], axis=1)[:, 0]
    loss = -jnp.mean(picked)
    return (lgits2, loss)

if __name__ == "__main__":
    import jax
    _d = setup_inputs()
    print(jax.jit(kernel)(*tuple(_d.values())))

</pallas_src>

<mosaic_0001>
#map = affine_map<(d0, d1) -> (0, 0)>
#map1 = affine_map<(d0, d1) -> (0)>
#map2 = affine_map<(d0, d1) -> (0, 0, 0)>
module attributes {stable_mosaic.version = 14 : i64} {
  func.func @_gather_body(%arg0: i32, %arg1: i32, %arg2: memref<1000x1024xf32, #tpu.memory_space<hbm>>, %arg3: memref<51200xi32, #tpu.memory_space<hbm>>, %arg4: memref<1000008xf32, #tpu.memory_space<hbm>>, %arg5: memref<51200xi32, #tpu.memory_space<hbm>>, %arg6: memref<51200x1024xf32, #tpu.memory_space<hbm>>, %arg7: memref<32x1x1024xf32, #tpu.memory_space<hbm>>, %arg8: memref<1600xi32, #tpu.memory_space<vmem>>, %arg9: memref<2x32x1024xf32, #tpu.memory_space<vmem>>, %arg10: memref<1024xf32, #tpu.memory_space<vmem>>, %arg11: memref<1600xi32, #tpu.memory_space<vmem>>, %arg12: memref<1600xf32, #tpu.memory_space<vmem>>, %arg13: memref<!tpu.dma_semaphore, #tpu.memory_space<semaphore_mem>>, %arg14: memref<!tpu.dma_semaphore, #tpu.memory_space<semaphore_mem>>, %arg15: memref<!tpu.dma_semaphore, #tpu.memory_space<semaphore_mem>>, %arg16: memref<!tpu.dma_semaphore, #tpu.memory_space<semaphore_mem>>, %arg17: memref<!tpu.dma_semaphore, #tpu.memory_space<semaphore_mem>>) attributes {dimension_semantics = [#tpu.dimension_semantics<core_parallel>, #tpu.dimension_semantics<subcore_parallel>], iteration_bounds = array<i64: 2, 16>, scalar_prefetch = 0 : i64, scratch_operands = 10 : i64, tpu.core_type = #tpu.core_type<sc_vector_subcore>, window_params = [{transform_indices = #map}, {transform_indices = #map1}, {transform_indices = #map1}, {transform_indices = #map1}, {transform_indices = #map}, {transform_indices = #map2}]} {
    %mul3A = arith.constant 2 : i32
    %mul3A_0 = arith.muli %arg1, %mul3A : i32
    %add3A = arith.addi %mul3A_0, %arg0 : i32
    %mul3A_1 = arith.constant 1600 : i32
    %mul3A_2 = arith.muli %add3A, %mul3A_1 : i32
    "tpu.region"() ({
      %run_scoped3A_55 = tpu.sem_alloc : memref<!tpu.dma_semaphore, #tpu.memory_space<semaphore_mem>>
      %dma_start3A_56 = tpu.memref_slice %arg3[%mul3A_2] : memref<51200xi32, #tpu.memory_space<hbm>> -> memref<1600xi32, #tpu.memory_space<hbm>>
      %dma_start3A_57 = tpu.memref_slice %arg3[%mul3A_2] : memref<51200xi32, #tpu.memory_space<hbm>> -> memref<1600xi32, #tpu.memory_space<hbm>>
      tpu.enqueue_dma source(%dma_start3A_57 : memref<1600xi32, #tpu.memory_space<hbm>>) target(%arg8 : memref<1600xi32, #tpu.memory_space<vmem>>) target_semaphore(%run_scoped3A_55 : memref<!tpu.dma_semaphore, #tpu.memory_space<semaphore_mem>>)
      %dma_wait3A_58 = tpu.memref_slice %arg3[%mul3A_2] : memref<51200xi32, #tpu.memory_space<hbm>> -> memref<1600xi32, #tpu.memory_space<hbm>>
      %dma_wait3A_59 = tpu.memref_slice %arg3[%mul3A_2] : memref<51200xi32, #tpu.memory_space<hbm>> -> memref<1600xi32, #tpu.memory_space<hbm>>
      tpu.wait_dma2 semaphore(%run_scoped3A_55 : memref<!tpu.dma_semaphore, #tpu.memory_space<semaphore_mem>>) src(%dma_wait3A_59 : memref<1600xi32, #tpu.memory_space<hbm>>) dst(%arg8 : memref<1600xi32, #tpu.memory_space<vmem>>)
      tpu.yield
    }) : () -> ()
    "tpu.region"() ({
      %run_scoped3A_55 = tpu.sem_alloc : memref<!tpu.dma_semaphore, #tpu.memory_space<semaphore_mem>>
      %dma_start3A_56 = tpu.memref_slice %arg5[%mul3A_2] : memref<51200xi32, #tpu.memory_space<hbm>> -> memref<1600xi32, #tpu.memory_space<hbm>>
      %dma_start3A_57 = tpu.memref_slice %arg5[%mul3A_2] : memref<51200xi32, #tpu.memory_space<hbm>> -> memref<1600xi32, #tpu.memory_space<hbm>>
      tpu.enqueue_dma source(%dma_start3A_57 : memref<1600xi32, #tpu.memory_space<hbm>>) target(%arg11 : memref<1600xi32, #tpu.memory_space<vmem>>) target_semaphore(%run_scoped3A_55 : memref<!tpu.dma_semaphore, #tpu.memory_space<semaphore_mem>>)
      %dma_wait3A_58 = tpu.memref_slice %arg5[%mul3A_2] : memref<51200xi32, #tpu.memory_space<hbm>> -> memref<1600xi32, #tpu.memory_space<hbm>>
      %dma_wait3A_59 = tpu.memref_slice %arg5[%mul3A_2] : memref<51200xi32, #tpu.memory_space<hbm>> -> memref<1600xi32, #tpu.memory_space<hbm>>
      tpu.wait_dma2 semaphore(%run_scoped3A_55 : memref<!tpu.dma_semaphore, #tpu.memory_space<semaphore_mem>>) src(%dma_wait3A_59 : memref<1600xi32, #tpu.memory_space<hbm>>) dst(%arg11 : memref<1600xi32, #tpu.memory_space<vmem>>)
      tpu.yield
    }) : () -> ()
    %dma_start3A = arith.constant 0 : i32
    %dma_start3A_3 = tpu.memref_slice %arg4[%dma_start3A] : memref<1000008xf32, #tpu.memory_space<hbm>> -> memref<1000008xf32, #tpu.memory_space<hbm>>
    tpu.enqueue_indirect_dma source(%dma_start3A_3 : memref<1000008xf32, #tpu.memory_space<hbm>>) target(%arg12 : memref<1600xf32, #tpu.memory_space<vmem>>) offsets(%arg11 : memref<1600xi32, #tpu.memory_space<vmem>>) semaphore(%arg17 : memref<!tpu.dma_semaphore, #tpu.memory_space<semaphore_mem>>)
    %dma_start3A_4 = arith.constant 0 : i32
    %dma_start3A_5 = arith.constant 0 : i32
    %dma_start3A_6 = arith.constant 0 : i32
    %dma_start3A_7 = tpu.memref_slice %arg9[%dma_start3A_4, %dma_start3A_5, %dma_start3A_6] : memref<2x32x1024xf32, #tpu.memory_space<vmem>> -> memref<1x32x1024xf32, #tpu.memory_space<vmem>>
    %dma_start3A_8 = tpu.memref_squeeze %dma_start3A_7 : memref<1x32x1024xf32, #tpu.memory_space<vmem>> -> memref<32x1024xf32, #tpu.memory_space<vmem>>
    %dma_start3A_9 = arith.constant 0 : i32
    %dma_start3A_10 = tpu.memref_slice %arg8[%dma_start3A_9] : memref<1600xi32, #tpu.memory_space<vmem>> -> memref<32xi32, #tpu.memory_space<vmem>>
    %dma_start3A_11 = arith.constant 0 : i32
    %dma_start3A_12 = arith.constant 0 : i32
    %dma_start3A_13 = tpu.memref_slice %arg2[%dma_start3A_11, %dma_start3A_12] : memref<1000x1024xf32, #tpu.memory_space<hbm>> -> memref<1000x1024xf32, #tpu.memory_space<hbm>>
    tpu.enqueue_indirect_dma source(%dma_start3A_13 : memref<1000x1024xf32, #tpu.memory_space<hbm>>) target(%dma_start3A_8 : memref<32x1024xf32, #tpu.memory_space<vmem>>) offsets(%dma_start3A_10 : memref<32xi32, #tpu.memory_space<vmem>>) semaphore(%arg13 : memref<!tpu.dma_semaphore, #tpu.memory_space<semaphore_mem>>)
    %dma_start3A_14 = arith.constant 1 : i32
    %dma_start3A_15 = arith.constant 0 : i32
    %dma_start3A_16 = arith.constant 0 : i32
    %dma_start3A_17 = tpu.memref_slice %arg9[%dma_start3A_14, %dma_start3A_15, %dma_start3A_16] : memref<2x32x1024xf32, #tpu.memory_space<vmem>> -> memref<1x32x1024xf32, #tpu.memory_space<vmem>>
    %dma_start3A_18 = tpu.memref_squeeze %dma_start3A_17 : memref<1x32x1024xf32, #tpu.memory_space<vmem>> -> memref<32x1024xf32, #tpu.memory_space<vmem>>
    %dma_start3A_19 = arith.constant 32 : i32
    %dma_start3A_20 = tpu.memref_slice %arg8[%dma_start3A_19] : memref<1600xi32, #tpu.memory_space<vmem>> -> memref<32xi32, #tpu.memory_space<vmem>>
    %dma_start3A_21 = arith.constant 0 : i32
    %dma_start3A_22 = arith.constant 0 : i32
    %dma_start3A_23 = tpu.memref_slice %arg2[%dma_start3A_21, %dma_start3A_22] : memref<1000x1024xf32, #tpu.memory_space<hbm>> -> memref<1000x1024xf32, #tpu.memory_space<hbm>>
    tpu.enqueue_indirect_dma source(%dma_start3A_23 : memref<1000x1024xf32, #tpu.memory_space<hbm>>) target(%dma_start3A_18 : memref<32x1024xf32, #tpu.memory_space<vmem>>) offsets(%dma_start3A_20 : memref<32xi32, #tpu.memory_space<vmem>>) semaphore(%arg14 : memref<!tpu.dma_semaphore, #tpu.memory_space<semaphore_mem>>)
    %scan3A = arith.constant 0 : i32
    %scan3A_24 = arith.constant 0 : i32
    %scan3A_25 = arith.constant 64 : i32
    %scan3A_26 = arith.addi %scan3A_24, %scan3A_25 : i32
    %scan3A_27 = arith.constant 1 : i32
    %scan3A_28 = scf.for %scan3A_55 = %scan3A_24 to %scan3A_26 step %scan3A_27 iter_args(%scan3A_56 = %scan3A) -> (i32)  : i32 {
      %broadcast_in_dim3A_57 = arith.constant 0.000000e+00 : f32
      %broadcast_in_dim3A_58 = vector.broadcast %broadcast_in_dim3A_57 : f32 to vector<16xf32>
      %mul3A_59 = arith.constant 16 : i32
      %mul3A_60 = arith.muli %scan3A_55, %mul3A_59 : i32
      %swap3A_61 = arith.index_cast %mul3A_60 : i32 to index
      %swap3A_62 = tpu.vector_load %arg10[%swap3A_61] {strides = array<i32>} : memref<1024xf32, #tpu.memory_space<vmem>>, vector<16xf32>,
      tpu.vector_store %arg10[%swap3A_61], %broadcast_in_dim3A_58 {strides = array<i32>} : memref<1024xf32, #tpu.memory_space<vmem>>, vector<16xf32>,
      %scan3A_63 = arith.constant 0 : i32
      scf.yield %scan3A_63 : i32
    }
    %scan3A_29 = arith.constant 64 : i32
    %broadcast_in_dim3A = arith.constant 1.000000e+00 : f32
    %broadcast_in_dim3A_30 = vector.broadcast %broadcast_in_dim3A : f32 to vector<16xf32>
    %scan3A_31 = arith.constant 0 : i32
    %scan3A_32 = arith.constant 0 : i32
    %scan3A_33 = arith.constant 100 : i32
    %scan3A_34 = arith.addi %scan3A_32, %scan3A_33 : i32
    %scan3A_35 = arith.constant 1 : i32
    %scan3A_36 = scf.for %scan3A_55 = %scan3A_32 to %scan3A_34 step %scan3A_35 iter_args(%scan3A_56 = %scan3A_31) -> (i32)  : i32 {
      %mul3A_57 = arith.constant 16 : i32
      %mul3A_58 = arith.muli %scan3A_55, %mul3A_57 : i32
      %get3A = arith.index_cast %mul3A_58 : i32 to index
      %get3A_59 = tpu.vector_load %arg8[%get3A] {strides = array<i32>} : memref<1600xi32, #tpu.memory_space<vmem>>, vector<16xi32>,
      tpu.vector_store_idx %arg10[%get3A_59], %broadcast_in_dim3A_30 {add = true} : memref<1024xf32, #tpu.memory_space<vmem>>[vector<16xi32>], vector<16xf32>,
      %scan3A_60 = arith.constant 0 : i32
      scf.yield %scan3A_60 : i32
    }
    %scan3A_37 = arith.constant 100 : i32
    %scan3A_38 = arith.constant 0 : i32
    %scan3A_39 = arith.constant 0 : i32
    %scan3A_40 = arith.constant 25 : i32
    %scan3A_41 = arith.addi %scan3A_39, %scan3A_40 : i32
    %scan3A_42 = arith.constant 1 : i32
    %scan3A_43 = scf.for %scan3A_55 = %scan3A_39 to %scan3A_41 step %scan3A_42 iter_args(%scan3A_56 = %scan3A_38) -> (i32)  : i32 {
      %mul3A_57 = arith.constant 2 : i32
      %mul3A_58 = arith.muli %scan3A_55, %mul3A_57 : i32
      %add3A_59 = arith.constant 0 : i32
      %add3A_60 = arith.addi %mul3A_58, %add3A_59 : i32
      %mul3A_61 = arith.constant 32 : i32
      %mul3A_62 = arith.muli %add3A_60, %mul3A_61 : i32
      %dma_wait3A_63 = arith.constant 0 : i32
      %dma_wait3A_64 = arith.constant 0 : i32
      %dma_wait3A_65 = arith.constant 0 : i32
      %dma_wait3A_66 = tpu.memref_slice %arg9[%dma_wait3A_63, %dma_wait3A_64, %dma_wait3A_65] : memref<2x32x1024xf32, #tpu.memory_space<vmem>> -> memref<1x32x1024xf32, #tpu.memory_space<vmem>>
      %dma_wait3A_67 = tpu.memref_squeeze %dma_wait3A_66 : memref<1x32x1024xf32, #tpu.memory_space<vmem>> -> memref<32x1024xf32, #tpu.memory_space<vmem>>
      %dma_wait3A_68 = tpu.memref_slice %arg8[%mul3A_62] : memref<1600xi32, #tpu.memory_space<vmem>> -> memref<32xi32, #tpu.memory_space<vmem>>
      %dma_wait3A_69 = arith.constant 0 : i32
      %dma_wait3A_70 = arith.constant 0 : i32
      %dma_wait3A_71 = tpu.memref_slice %arg2[%dma_wait3A_69, %dma_wait3A_70] : memref<1000x1024xf32, #tpu.memory_space<hbm>> -> memref<1000x1024xf32, #tpu.memory_space<hbm>>
      tpu.wait_indirect_dma semaphore(%arg13 : memref<!tpu.dma_semaphore, #tpu.memory_space<semaphore_mem>>) src(%dma_wait3A_71 : memref<1000x1024xf32, #tpu.memory_space<hbm>>) dst(%dma_wait3A_67 : memref<32x1024xf32, #tpu.memory_space<vmem>>)
      %add3A_72 = arith.addi %mul3A_2, %mul3A_62 : i32
      %dma_start3A_73 = arith.constant 0 : i32
      %dma_start3A_74 = arith.constant 0 : i32
      %dma_start3A_75 = arith.constant 0 : i32
      %dma_start3A_76 = tpu.memref_slice %arg9[%dma_start3A_73, %dma_start3A_74, %dma_start3A_75] : memref<2x32x1024xf32, #tpu.memory_space<vmem>> -> memref<1x32x1024xf32, #tpu.memory_space<vmem>>
      %dma_start3A_77 = tpu.memref_squeeze %dma_start3A_76 : memref<1x32x1024xf32, #tpu.memory_space<vmem>> -> memref<32x1024xf32, #tpu.memory_space<vmem>>
      %dma_start3A_78 = arith.constant 0 : i32
      %dma_start3A_79 = tpu.memref_slice %arg6[%add3A_72, %dma_start3A_78] : memref<51200x1024xf32, #tpu.memory_space<hbm>> -> memref<32x1024xf32, #tpu.memory_space<hbm>>
      %dma_start3A_80 = arith.constant 0 : i32
      %dma_start3A_81 = tpu.memref_slice %arg6[%add3A_72, %dma_start3A_80] : memref<51200x1024xf32, #tpu.memory_space<hbm>> -> memref<32x1024xf32, #tpu.memory_space<hbm>>
      %dma_start3A_82 = arith.constant 0 : i32
      %dma_start3A_83 = arith.constant 0 : i32
      %dma_start3A_84 = tpu.memref_slice %arg9[%dma_start3A_73, %dma_start3A_82, %dma_start3A_83] : memref<2x32x1024xf32, #tpu.memory_space<vmem>> -> memref<1x32x1024xf32, #tpu.memory_space<vmem>>
      %dma_start3A_85 = tpu.memref_squeeze %dma_start3A_84 : memref<1x32x1024xf32, #tpu.memory_space<vmem>> -> memref<32x1024xf32, #tpu.memory_space<vmem>>
      tpu.enqueue_dma source(%dma_start3A_85 : memref<32x1024xf32, #tpu.memory_space<vmem>>) target(%dma_start3A_81 : memref<32x1024xf32, #tpu.memory_space<hbm>>) target_semaphore(%arg15 : memref<!tpu.dma_semaphore, #tpu.memory_space<semaphore_mem>>)
      %dma_wait3A_86 = arith.constant 0 : i32
      %dma_wait3A_87 = arith.constant 0 : i32
      %dma_wait3A_88 = arith.constant 0 : i32
      %dma_wait3A_89 = tpu.memref_slice %arg9[%dma_wait3A_86, %dma_wait3A_87, %dma_wait3A_88] : memref<2x32x1024xf32, #tpu.memory_space<vmem>> -> memref<1x32x1024xf32, #tpu.memory_space<vmem>>
      %dma_wait3A_90 = tpu.memref_squeeze %dma_wait3A_89 : memref<1x32x1024xf32, #tpu.memory_space<vmem>> -> memref<32x1024xf32, #tpu.memory_space<vmem>>
      %dma_wait3A_91 = arith.constant 0 : i32
      %dma_wait3A_92 = tpu.memref_slice %arg6[%add3A_72, %dma_wait3A_91] : memref<51200x1024xf32, #tpu.memory_space<hbm>> -> memref<32x1024xf32, #tpu.memory_space<hbm>>
      %dma_wait3A_93 = arith.constant 0 : i32
      %dma_wait3A_94 = tpu.memref_slice %arg6[%add3A_72, %dma_wait3A_93] : memref<51200x1024xf32, #tpu.memory_space<hbm>> -> memref<32x1024xf32, #tpu.memory_space<hbm>>
      %dma_wait3A_95 = arith.constant 0 : i32
      %dma_wait3A_96 = arith.constant 0 : i32
      %dma_wait3A_97 = tpu.memref_slice %arg9[%dma_wait3A_86, %dma_wait3A_95, %dma_wait3A_96] : memref<2x32x1024xf32, #tpu.memory_space<vmem>> -> memref<1x32x1024xf32, #tpu.memory_space<vmem>>
      %dma_wait3A_98 = tpu.memref_squeeze %dma_wait3A_97 : memref<1x32x1024xf32, #tpu.memory_space<vmem>> -> memref<32x1024xf32, #tpu.memory_space<vmem>>
      tpu.wait_dma2 semaphore(%arg15 : memref<!tpu.dma_semaphore, #tpu.memory_space<semaphore_mem>>) src(%dma_wait3A_98 : memref<32x1024xf32, #tpu.memory_space<vmem>>) dst(%dma_wait3A_94 : memref<32x1024xf32, #tpu.memory_space<hbm>>)
      %add3A_99 = arith.constant 2 : i32
      %add3A_100 = arith.addi %add3A_60, %add3A_99 : i32
      %lt3A = arith.constant 50 : i32
      %lt3A_101 = arith.cmpi slt, %add3A_100, %lt3A : i32
      %convert_element_type3A = arith.extui %lt3A_101 : i1 to i32
      %cond3A = arith.constant 0 : i32
      %cond3A_102 = arith.constant 0 : i32
      %cond3A_103 = arith.cmpi ne, %convert_element_type3A, %cond3A_102 : i32
      scf.if %cond3A_103 {
        %mul3A_155 = arith.constant 32 : i32
        %mul3A_156 = arith.muli %add3A_100, %mul3A_155 : i32
        %dma_start3A_157 = arith.constant 0 : i32
        %dma_start3A_158 = arith.constant 0 : i32
        %dma_start3A_159 = tpu.memref_slice %arg9[%cond3A, %dma_start3A_157, %dma_start3A_158] : memref<2x32x1024xf32, #tpu.memory_space<vmem>> -> memref<1x32x1024xf32, #tpu.memory_space<vmem>>
        %dma_start3A_160 = tpu.memref_squeeze %dma_start3A_159 : memref<1x32x1024xf32, #tpu.memory_space<vmem>> -> memref<32x1024xf32, #tpu.memory_space<vmem>>
        %dma_start3A_161 = tpu.memref_slice %arg8[%mul3A_156] : memref<1600xi32, #tpu.memory_space<vmem>> -> memref<32xi32, #tpu.memory_space<vmem>>
        %dma_start3A_162 = arith.constant 0 : i32
        %dma_start3A_163 = arith.constant 0 : i32
        %dma_start3A_164 = tpu.memref_slice %arg2[%dma_start3A_162, %dma_start3A_163] : memref<1000x1024xf32, #tpu.memory_space<hbm>> -> memref<1000x1024xf32, #tpu.memory_space<hbm>>
        tpu.enqueue_indirect_dma source(%dma_start3A_164 : memref<1000x1024xf32, #tpu.memory_space<hbm>>) target(%dma_start3A_160 : memref<32x1024xf32, #tpu.memory_space<vmem>>) offsets(%dma_start3A_161 : memref<32xi32, #tpu.memory_space<vmem>>) semaphore(%arg13 : memref<!tpu.dma_semaphore, #tpu.memory_space<semaphore_mem>>)
      } else {
      }
      %mul3A_104 = arith.constant 2 : i32
      %mul3A_105 = arith.muli %scan3A_55, %mul3A_104 : i32
      %add3A_106 = arith.constant 1 : i32
      %add3A_107 = arith.addi %mul3A_105, %add3A_106 : i32
      %mul3A_108 = arith.constant 32 : i32
      %mul3A_109 = arith.muli %add3A_107, %mul3A_108 : i32
      %dma_wait3A_110 = arith.constant 1 : i32
      %dma_wait3A_111 = arith.constant 0 : i32
      %dma_wait3A_112 = arith.constant 0 : i32
      %dma_wait3A_113 = tpu.memref_slice %arg9[%dma_wait3A_110, %dma_wait3A_111, %dma_wait3A_112] : memref<2x32x1024xf32, #tpu.memory_space<vmem>> -> memref<1x32x1024xf32, #tpu.memory_space<vmem>>
      %dma_wait3A_114 = tpu.memref_squeeze %dma_wait3A_113 : memref<1x32x1024xf32, #tpu.memory_space<vmem>> -> memref<32x1024xf32, #tpu.memory_space<vmem>>
      %dma_wait3A_115 = tpu.memref_slice %arg8[%mul3A_109] : memref<1600xi32, #tpu.memory_space<vmem>> -> memref<32xi32, #tpu.memory_space<vmem>>
      %dma_wait3A_116 = arith.constant 0 : i32
      %dma_wait3A_117 = arith.constant 0 : i32
      %dma_wait3A_118 = tpu.memref_slice %arg2[%dma_wait3A_116, %dma_wait3A_117] : memref<1000x1024xf32, #tpu.memory_space<hbm>> -> memref<1000x1024xf32, #tpu.memory_space<hbm>>
      tpu.wait_indirect_dma semaphore(%arg14 : memref<!tpu.dma_semaphore, #tpu.memory_space<semaphore_mem>>) src(%dma_wait3A_118 : memref<1000x1024xf32, #tpu.memory_space<hbm>>) dst(%dma_wait3A_114 : memref<32x1024xf32, #tpu.memory_space<vmem>>)
      %add3A_119 = arith.addi %mul3A_2, %mul3A_109 : i32
      %dma_start3A_120 = arith.constant 1 : i32
      %dma_start3A_121 = arith.constant 0 : i32
      %dma_start3A_122 = arith.constant 0 : i32
      %dma_start3A_123 = tpu.memref_slice %arg9[%dma_start3A_120, %dma_start3A_121, %dma_start3A_122] : memref<2x32x1024xf32, #tpu.memory_space<vmem>> -> memref<1x32x1024xf32, #tpu.memory_space<vmem>>
      %dma_start3A_124 = tpu.memref_squeeze %dma_start3A_123 : memref<1x32x1024xf32, #tpu.memory_space<vmem>> -> memref<32x1024xf32, #tpu.memory_space<vmem>>
      %dma_start3A_125 = arith.constant 0 : i32
      %dma_start3A_126 = tpu.memref_slice %arg6[%add3A_119, %dma_start3A_125] : memref<51200x1024xf32, #tpu.memory_space<hbm>> -> memref<32x1024xf32, #tpu.memory_space<hbm>>
      %dma_start3A_127 = arith.constant 0 : i32
      %dma_start3A_128 = tpu.memref_slice %arg6[%add3A_119, %dma_start3A_127] : memref<51200x1024xf32, #tpu.memory_space<hbm>> -> memref<32x1024xf32, #tpu.memory_space<hbm>>
      %dma_start3A_129 = arith.constant 0 : i32
      %dma_start3A_130 = arith.constant 0 : i32
      %dma_start3A_131 = tpu.memref_slice %arg9[%dma_start3A_120, %dma_start3A_129, %dma_start3A_130] : memref<2x32x1024xf32, #tpu.memory_space<vmem>> -> memref<1x32x1024xf32, #tpu.memory_space<vmem>>
      %dma_start3A_132 = tpu.memref_squeeze %dma_start3A_131 : memref<1x32x1024xf32, #tpu.memory_space<vmem>> -> memref<32x1024xf32, #tpu.memory_space<vmem>>
      tpu.enqueue_dma source(%dma_start3A_132 : memref<32x1024xf32, #tpu.memory_space<vmem>>) target(%dma_start3A_128 : memref<32x1024xf32, #tpu.memory_space<hbm>>) target_semaphore(%arg16 : memref<!tpu.dma_semaphore, #tpu.memory_space<semaphore_mem>>)
      %dma_wait3A_133 = arith.constant 1 : i32
      %dma_wait3A_134 = arith.constant 0 : i32
      %dma_wait3A_135 = arith.constant 0 : i32
      %dma_wait3A_136 = tpu.memref_slice %arg9[%dma_wait3A_133, %dma_wait3A_134, %dma_wait3A_135] : memref<2x32x1024xf32, #tpu.memory_space<vmem>> -> memref<1x32x1024xf32, #tpu.memory_space<vmem>>
      %dma_wait3A_137 = tpu.memref_squeeze %dma_wait3A_136 : memref<1x32x1024xf32, #tpu.memory_space<vmem>> -> memref<32x1024xf32, #tpu.memory_space<vmem>>
      %dma_wait3A_138 = arith.constant 0 : i32
      %dma_wait3A_139 = tpu.memref_slice %arg6[%add3A_119, %dma_wait3A_138] : memref<51200x1024xf32, #tpu.memory_space<hbm>> -> memref<32x1024xf32, #tpu.memory_space<hbm>>
      %dma_wait3A_140 = arith.constant 0 : i32
      %dma_wait3A_141 = tpu.memref_slice %arg6[%add3A_119, %dma_wait3A_140] : memref<51200x1024xf32, #tpu.memory_space<hbm>> -> memref<32x1024xf32, #tpu.memory_space<hbm>>
      %dma_wait3A_142 = arith.constant 0 : i32
      %dma_wait3A_143 = arith.constant 0 : i32
      %dma_wait3A_144 = tpu.memref_slice %arg9[%dma_wait3A_133, %dma_wait3A_142, %dma_wait3A_143] : memref<2x32x1024xf32, #tpu.memory_space<vmem>> -> memref<1x32x1024xf32, #tpu.memory_space<vmem>>
      %dma_wait3A_145 = tpu.memref_squeeze %dma_wait3A_144 : memref<1x32x1024xf32, #tpu.memory_space<vmem>> -> memref<32x1024xf32, #tpu.memory_space<vmem>>
      tpu.wait_dma2 semaphore(%arg16 : memref<!tpu.dma_semaphore, #tpu.memory_space<semaphore_mem>>) src(%dma_wait3A_145 : memref<32x1024xf32, #tpu.memory_space<vmem>>) dst(%dma_wait3A_141 : memref<32x1024xf32, #tpu.memory_space<hbm>>)
      %add3A_146 = arith.constant 2 : i32
      %add3A_147 = arith.addi %add3A_107, %add3A_146 : i32
      %lt3A_148 = arith.constant 50 : i32
      %lt3A_149 = arith.cmpi slt, %add3A_147, %lt3A_148 : i32
      %convert_element_type3A_150 = arith.extui %lt3A_149 : i1 to i32
      %cond3A_151 = arith.constant 1 : i32
      %cond3A_152 = arith.constant 0 : i32
      %cond3A_153 = arith.cmpi ne, %convert_element_type3A_150, %cond3A_152 : i32
      scf.if %cond3A_153 {
        %mul3A_155 = arith.constant 32 : i32
        %mul3A_156 = arith.muli %add3A_147, %mul3A_155 : i32
        %dma_start3A_157 = arith.constant 0 : i32
        %dma_start3A_158 = arith.constant 0 : i32
        %dma_start3A_159 = tpu.memref_slice %arg9[%cond3A_151, %dma_start3A_157, %dma_start3A_158] : memref<2x32x1024xf32, #tpu.memory_space<vmem>> -> memref<1x32x1024xf32, #tpu.memory_space<vmem>>
        %dma_start3A_160 = tpu.memref_squeeze %dma_start3A_159 : memref<1x32x1024xf32, #tpu.memory_space<vmem>> -> memref<32x1024xf32, #tpu.memory_space<vmem>>
        %dma_start3A_161 = tpu.memref_slice %arg8[%mul3A_156] : memref<1600xi32, #tpu.memory_space<vmem>> -> memref<32xi32, #tpu.memory_space<vmem>>
        %dma_start3A_162 = arith.constant 0 : i32
        %dma_start3A_163 = arith.constant 0 : i32
        %dma_start3A_164 = tpu.memref_slice %arg2[%dma_start3A_162, %dma_start3A_163] : memref<1000x1024xf32, #tpu.memory_space<hbm>> -> memref<1000x1024xf32, #tpu.memory_space<hbm>>
        tpu.enqueue_indirect_dma source(%dma_start3A_164 : memref<1000x1024xf32, #tpu.memory_space<hbm>>) target(%dma_start3A_160 : memref<32x1024xf32, #tpu.memory_space<vmem>>) offsets(%dma_start3A_161 : memref<32xi32, #tpu.memory_space<vmem>>) semaphore(%arg14 : memref<!tpu.dma_semaphore, #tpu.memory_space<semaphore_mem>>)
      } else {
      }
      %scan3A_154 = arith.constant 0 : i32
      scf.yield %scan3A_154 : i32
    }
    %scan3A_44 = arith.constant 25 : i32
    %dma_wait3A = arith.constant 0 : i32
    %dma_wait3A_45 = tpu.memref_slice %arg4[%dma_wait3A] : memref<1000008xf32, #tpu.memory_space<hbm>> -> memref<1000008xf32, #tpu.memory_space<hbm>>
    tpu.wait_indirect_dma semaphore(%arg17 : memref<!tpu.dma_semaphore, #tpu.memory_space<semaphore_mem>>) src(%dma_wait3A_45 : memref<1000008xf32, #tpu.memory_space<hbm>>) dst(%arg12 : memref<1600xf32, #tpu.memory_space<vmem>>)
    %broadcast_in_dim3A_46 = arith.constant 0.000000e+00 : f32
    %broadcast_in_dim3A_47 = vector.broadcast %broadcast_in_dim3A_46 : f32 to vector<16xf32>
    %scan3A_48 = arith.constant 0 : i32
    %scan3A_49 = arith.constant 100 : i32
    %scan3A_50 = arith.addi %scan3A_48, %scan3A_49 : i32
    %scan3A_51 = arith.constant 1 : i32
    %scan3A_52 = scf.for %scan3A_55 = %scan3A_48 to %scan3A_50 step %scan3A_51 iter_args(%scan3A_56 = %broadcast_in_dim3A_47) -> (vector<16xf32>)  : i32 {
      %mul3A_57 = arith.constant 16 : i32
      %mul3A_58 = arith.muli %scan3A_55, %mul3A_57 : i32
      %get3A = arith.index_cast %mul3A_58 : i32 to index
      %get3A_59 = tpu.vector_load %arg12[%get3A] {strides = array<i32>} : memref<1600xf32, #tpu.memory_space<vmem>>, vector<16xf32>,
      %add3A_60 = arith.addf %scan3A_56, %get3A_59 : vector<16xf32>
      scf.yield %add3A_60 : vector<16xf32>
    }
    %scan3A_53 = arith.constant 100 : i32
    %swap3A = arith.constant 1008 : index
    %swap3A_54 = tpu.vector_load %arg10[%swap3A] {strides = array<i32>} : memref<1024xf32, #tpu.memory_space<vmem>>, vector<16xf32>,
    tpu.vector_store %arg10[%swap3A], %scan3A_52 {strides = array<i32>} : memref<1024xf32, #tpu.memory_space<vmem>>, vector<16xf32>,
    %run_scoped3A = arith.constant 0 : i32
    "tpu.region"() ({
      %run_scoped3A_55 = tpu.sem_alloc : memref<!tpu.dma_semaphore, #tpu.memory_space<semaphore_mem>>
      %dma_start3A_56 = arith.constant 0 : i32
      %dma_start3A_57 = tpu.memref_slice %arg7[%add3A, %run_scoped3A, %dma_start3A_56] : memref<32x1x1024xf32, #tpu.memory_space<hbm>> -> memref<1x1x1024xf32, #tpu.memory_space<hbm>>
      %dma_start3A_58 = tpu.memref_squeeze %dma_start3A_57 : memref<1x1x1024xf32, #tpu.memory_space<hbm>> -> memref<1024xf32, #tpu.memory_space<hbm>>
      %dma_start3A_59 = arith.constant 0 : i32
      %dma_start3A_60 = tpu.memref_slice %arg7[%add3A, %run_scoped3A, %dma_start3A_59] : memref<32x1x1024xf32, #tpu.memory_space<hbm>> -> memref<1x1x1024xf32, #tpu.memory_space<hbm>>
      %dma_start3A_61 = tpu.memref_squeeze %dma_start3A_60 : memref<1x1x1024xf32, #tpu.memory_space<hbm>> -> memref<1024xf32, #tpu.memory_space<hbm>>
      tpu.enqueue_dma source(%arg10 : memref<1024xf32, #tpu.memory_space<vmem>>) target(%dma_start3A_61 : memref<1024xf32, #tpu.memory_space<hbm>>) target_semaphore(%run_scoped3A_55 : memref<!tpu.dma_semaphore, #tpu.memory_space<semaphore_mem>>)
      %dma_wait3A_62 = arith.constant 0 : i32
      %dma_wait3A_63 = tpu.memref_slice %arg7[%add3A, %run_scoped3A, %dma_wait3A_62] : memref<32x1x1024xf32, #tpu.memory_space<hbm>> -> memref<1x1x1024xf32, #tpu.memory_space<hbm>>
      %dma_wait3A_64 = tpu.memref_squeeze %dma_wait3A_63 : memref<1x1x1024xf32, #tpu.memory_space<hbm>> -> memref<1024xf32, #tpu.memory_space<hbm>>
      %dma_wait3A_65 = arith.constant 0 : i32
      %dma_wait3A_66 = tpu.memref_slice %arg7[%add3A, %run_scoped3A, %dma_wait3A_65] : memref<32x1x1024xf32, #tpu.memory_space<hbm>> -> memref<1x1x1024xf32, #tpu.memory_space<hbm>>
      %dma_wait3A_67 = tpu.memref_squeeze %dma_wait3A_66 : memref<1x1x1024xf32, #tpu.memory_space<hbm>> -> memref<1024xf32, #tpu.memory_space<hbm>>
      tpu.wait_dma2 semaphore(%run_scoped3A_55 : memref<!tpu.dma_semaphore, #tpu.memory_space<semaphore_mem>>) src(%arg10 : memref<1024xf32, #tpu.memory_space<vmem>>) dst(%dma_wait3A_67 : memref<1024xf32, #tpu.memory_space<hbm>>)
      tpu.yield
    }) : () -> ()
    return
  }
}

module attributes {stable_mosaic.version = 14 : i64} {
  func.func @_lse_body(%arg0: memref<1000x1000xf32, #tpu.memory_space<vmem>>, %arg1: memref<1000x1xf32, #tpu.memory_space<vmem>>) attributes {dimension_semantics = [], scalar_prefetch = 0 : i64, scratch_operands = 0 : i64, tpu.core_type = #tpu.core_type<tc>} {
    %get3A = arith.constant 0 : index
    %get3A_0 = arith.constant 0 : index
    %get3A_1 = vector.load %arg0[%get3A, %get3A_0] : memref<1000x1000xf32, #tpu.memory_space<vmem>>, vector<1000x1000xf32>
    %reduce_max3A = arith.constant dense<0xFF800000> : vector<1000xf32>
    %reduce_max3A_2 = vector.multi_reduction <maximumf>, %get3A_1, %reduce_max3A [1] : vector<1000x1000xf32> to vector<1000xf32>
    %broadcast_in_dim3A = vector.shape_cast %reduce_max3A_2 : vector<1000xf32> to vector<1000x1xf32>
    %sub3A = vector.broadcast %broadcast_in_dim3A : vector<1000x1xf32> to vector<1000x1000xf32>
    %sub3A_3 = arith.subf %get3A_1, %sub3A : vector<1000x1000xf32>
    %exp3A = math.exp %sub3A_3 : vector<1000x1000xf32>
    %reduce_sum3A = arith.constant dense<0.000000e+00> : vector<1000xf32>
    %reduce_sum3A_4 = vector.multi_reduction <add>, %exp3A, %reduce_sum3A [1] : vector<1000x1000xf32> to vector<1000xf32>
    %log3A = math.log %reduce_sum3A_4 : vector<1000xf32>
    %add3A = arith.addf %reduce_max3A_2, %log3A : vector<1000xf32>
    %broadcast_in_dim3A_5 = vector.shape_cast %add3A : vector<1000xf32> to vector<1000x1xf32>
    %swap3A = arith.constant 0 : index
    %swap3A_6 = arith.constant 0 : index
    %swap3A_7 = vector.load %arg1[%swap3A, %swap3A_6] : memref<1000x1xf32, #tpu.memory_space<vmem>>, vector<1000x1xf32>
    tpu.vector_store %arg1[%swap3A, %swap3A_6], %broadcast_in_dim3A_5 {strides = array<i32>} : memref<1000x1xf32, #tpu.memory_space<vmem>>, vector<1000x1xf32>,
    return
  }
}

module attributes {stable_mosaic.version = 14 : i64} {
  func.func @_fin_body(%arg0: memref<32x1x1024xf32, #tpu.memory_space<vmem>>, %arg1: memref<1000x1xf32, #tpu.memory_space<vmem>>, %arg2: memref<1x1xf32, #tpu.memory_space<vmem>>) attributes {dimension_semantics = [], scalar_prefetch = 0 : i64, scratch_operands = 0 : i64, tpu.core_type = #tpu.core_type<tc>} {
    %get3A = arith.constant 0 : index
    %get3A_0 = arith.constant 0 : index
    %get3A_1 = arith.constant 0 : index
    %get3A_2 = vector.load %arg0[%get3A, %get3A_0, %get3A_1] : memref<32x1x1024xf32, #tpu.memory_space<vmem>>, vector<32x1x1024xf32>
    %reduce_sum3A = arith.constant dense<0.000000e+00> : vector<1x1024xf32>
    %reduce_sum3A_3 = vector.multi_reduction <add>, %get3A_2, %reduce_sum3A [0] : vector<32x1x1024xf32> to vector<1x1024xf32>
    %slice3A = vector.extract_strided_slice %reduce_sum3A_3 {offsets = [0, 0], sizes = [1, 1000], strides = [1, 1]} : vector<1x1024xf32> to vector<1x1000xf32>
    %get3A_4 = arith.constant 0 : index
    %get3A_5 = arith.constant 0 : index
    %get3A_6 = vector.load %arg1[%get3A_4, %get3A_5] : memref<1000x1xf32, #tpu.memory_space<vmem>>, vector<1000x1xf32>
    %dot_general3A = arith.constant dense<0.000000e+00> : vector<1x1xf32>
    %dot_general3A_7 = tpu.matmul %slice3A, %get3A_6, %dot_general3A {dimension_numbers = #tpu.dot_dimension_numbers<[1], [0], [0], [1], [0, 0, 1, 1], [], []>, precision = #tpu.contract_precision<fp32>, transpose_lhs_hint = false} : vector<1x1000xf32>, vector<1000x1xf32>, vector<1x1xf32> -> vector<1x1xf32>
    %squeeze3A = vector.extract %dot_general3A_7[0, 0] : f32 from vector<1x1xf32>
    %slice3A_8 = vector.extract_strided_slice %reduce_sum3A_3 {offsets = [0, 1008], sizes = [1, 16], strides = [1, 1]} : vector<1x1024xf32> to vector<1x16xf32>
    %reduce_sum3A_9 = vector.shape_cast %slice3A_8 : vector<1x16xf32> to vector<1x1x16xf32>
    %reduce_sum3A_10 = arith.constant dense<0.000000e+00> : vector<1xf32>
    %reduce_sum3A_11 = vector.multi_reduction <add>, %reduce_sum3A_9, %reduce_sum3A_10 [1, 2] : vector<1x1x16xf32> to vector<1xf32>
    %reduce_sum3A_12 = vector.shape_cast %reduce_sum3A_11 : vector<1xf32> to vector<1x1x1xf32>
    %reduce_sum3A_13 = vector.extract %reduce_sum3A_12[0, 0, 0] : f32 from vector<1x1x1xf32>
    %sub3A = arith.subf %squeeze3A, %reduce_sum3A_13 : f32
    %div3A = arith.constant 5.120000e+04 : f32
    %div3A_14 = arith.divf %sub3A, %div3A : f32
    %broadcast_in_dim3A = vector.broadcast %div3A_14 : f32 to vector<1x1xf32>
    %swap3A = arith.constant 0 : index
    %swap3A_15 = arith.constant 0 : index
    %swap3A_16 = vector.load %arg2[%swap3A, %swap3A_15] : memref<1x1xf32, #tpu.memory_space<vmem>>, vector<1x1xf32>
    tpu.vector_store %arg2[%swap3A, %swap3A_15], %broadcast_in_dim3A {strides = array<i32>} : memref<1x1xf32, #tpu.memory_space<vmem>>, vector<1x1xf32>,
    return
  }
}

</mosaic_0001>

<sc_bundles>
// kernel: kernel.5.cloned.1.call-start
scs
__scs_entry_jumppad:
0x0: {  	(pc) =	sbr.rel $0x88, $3  }
0x1: {  	(tag) =	ssettag $0x0;
	lr =	simm.s32 $0x1  }
0x2: {  	[smem:$0x3F9E] =	sst lr;
	_ =	strace $0xD0000000  }
0x3: {  	_ = 	snop  }
0x4: {  	_ = 	snop  }
0x5: {  	_ = 	snop  }
0x6: {  	_ = 	snop  }
0x7: {  	_ = 	snop  }
__scs_overlays_trampoline_lowered:
0x8: {  	[smem:$0x3FAD] =	sst s0  }
0x9: {  	[smem:$0x3FAE] =	sst s1  }
0xa: {  	[smem:$0x3FAF] =	sst s2  }
0xb: {  	[smem:$0x3FB0] =	sst s3  }
0xc: {  	[smem:$0x3FB1] =	sst s4  }
0xd: {  	[smem:$0x3FB2] =	sst s5  }
0xe: {  	[smem:$0x3FB3] =	sst s6  }
0xf: {  	[smem:$0x3FB4] =	sst s7  }
0x10: {  	[smem:$0x3FB5] =	sst s8  }
0x11: {  	[smem:$0x3FB6] =	sst s9;
	s0 =	simm.s32 @!p0 $0x0  }
0x12: {  	s1 =	sld [smem:$0x3F9C];
	s0 =	simm.s32 @p0 $0x1  }
0x13: {  	[smem:$0x3FB7] =	sst s0;
	s0 =	simm.s32 @!p1 $0x0  }
0x14: {  	s2 =	sld [smem:$0x3F9B];
	s0 =	simm.s32 @p1 $0x1  }
0x15: {  	[smem:$0x3FB8] =	sst s0;
	s0 =	simm.s32 @!p2 $0x0  }
0x16: {  	s3 =	sld [smem:$0x3FDB];
	s0 =	simm.s32 @p2 $0x1  }
0x17: {  	s4 =	simm.s32 $0x1BF5;
	[smem:$0x3FBA] =	sst s0  }
0x18: {  	s0 =	sld [smem:$0x3F9D];
	_ =	swait.ge [sflag:s4], $0x0  }
0x19: {  	s7 =	sld [smem:$0x3F9E]  }
0x1a: {  	s8 =	sadd.s32 $0xFFFFE003, lr  }
0x1b: {  	s9 =	sadd.s32 $0xFFFFFEF7, lr;
	s5 =	simm.s32 $0xFFFFFFFF;
	p2 =	slt.u32 s8, $0xFFFFF086  }
0x1c: {  	p1 =	slt.u32 s9, $0xF7A;
	s5 =	simm.s32 @!p2 $0x0  }
0x1d: {  	s5 =	simm.s32 @p1 $0x1;
	p0 =	seq.s32 s7, s2  }
0x1e: {  	s7 =	smul.u32 @!p0 $0xF7A, s2;
	p2 =	seq.s32 @!p0 s5, $0x0  }
0x1f: {  	s9 =	smul.u32 $0xF7A, s1;
	s8 =	simm.s32 @!p0 $0x1BF5;
	p2 =	por !p2, p0  }
0x20: {  	[sflag:s8] =	ssyncset.s32 @!p0 $0xFFFFF086;
	s6 =	sadd.s32 @!p0 s3, s7;
	s7 =	simm.s32 @!p0 $0x108  }
0x21: {  	s3 =	sadd.s32 s3, s9;
	s6 =	sadd.s32 @!p0 $0x88, s6;
	s7 =	simm.s32 @p2 $0x1082  }
0x22: {  	[simem:s7], [sflag:s8] =	dma.local @!p0 [hbm:s6], $0xF7A  }
0x23: {  	s9 =	sor.u32 $0xD0000000, s2;
	s6 =	simm.s32 $0x108;
	_ =	swait.ge @!p0 [sflag:s8], $0x0  }
0x24: {  	s3 =	sadd.s32 $0x88, s3;
	s6 =	simm.s32 @!p1 $0x1082;
	[sflag:s4] =	ssyncset.s32 $0xFFFFF086  }
0x25: {  	[simem:s6], [sflag:s4] =	dma.local [hbm:s3], $0xF7A  }
0x26: {  	[smem:$0x3F9E] =	sst s1;
	(tag) =	ssettag s2;
	_ =	strace s9  }
0x27: {  	s1 =	sld [smem:$0x3FAE]  }
0x28: {  	s2 =	sld [smem:$0x3FAF]  }
0x29: {  	s4 =	sld [smem:$0x3FB1]  }
0x2a: {  	p0 =	seq.s32 s5, $0x0;
	s5 =	sld [smem:$0x3FB2]  }
0x2b: {  	s6 =	sld [smem:$0x3FB3]  }
0x2c: {  	s7 =	sld [smem:$0x3FB4]  }
0x2d: {  	s3 =	simm.s32 $0x108;
	s8 =	sld [smem:$0x3FB5]  }
0x2e: {  	s3 =	simm.s32 @!p0 $0x1082;
	s9 =	sld [smem:$0x3FB6]  }
0x2f: {  	lr =	sadd.s32 s0, s3;
	s0 =	sld [smem:$0x3FAD]  }
0x30: {  	s3 =	sld [smem:$0x3FB0]  }
0x31: {  	[smem:$0x3FB9] =	sst s10  }
0x32: {  	s10 =	sld [smem:$0x3FB7];
	_ =	sdelay $0x3  }
0x33: {  	p0 =	seq.s32 s10, $0x1;
	s10 =	sld [smem:$0x3FB9];
	_ =	sdelay $0x3  }
0x34: {  	[smem:$0x3FB9] =	sst s10  }
0x35: {  	s10 =	sld [smem:$0x3FB8];
	_ =	sdelay $0x3  }
0x36: {  	p1 =	seq.s32 s10, $0x1;
	s10 =	sld [smem:$0x3FB9];
	_ =	sdelay $0x3  }
0x37: {  	[smem:$0x3FB9] =	sst s10  }
0x38: {  	s10 =	sld [smem:$0x3FBA]  }
0x39: {  	_ = 	snop;
	(pc) =	sbr.ind lr, $3  }
0x3a: {  	_ = 	snop  }
0x3b: {  	_ = 	snop  }
0x3c: {  	p2 =	seq.s32 s10, $0x1;
	s10 =	sld [smem:$0x3FB9]  }
0x3d: {  	_ =	shalt  }
0x3e: {  	_ =	shalt  }
0x3f: {  	_ =	shalt  }
0x40: {  	_ =	shalt  }
0x41: {  	_ =	shalt  }
0x42: {  	_ =	shalt  }
0x43: {  	_ =	shalt  }
0x44: {  	_ =	shalt  }
0x45: {  	_ =	shalt  }
0x46: {  	_ =	shalt  }
0x47: {  	_ =	shalt  }
0x48: {  	_ =	shalt  }
0x49: {  	_ =	shalt  }
0x4a: {  	_ =	shalt  }
0x4b: {  	_ =	shalt  }
0x4c: {  	_ =	shalt  }
0x4d: {  	_ =	shalt  }
0x4e: {  	_ =	shalt  }
0x4f: {  	_ =	shalt  }
0x50: {  	_ =	shalt  }
0x51: {  	_ =	shalt  }
0x52: {  	_ =	shalt  }
0x53: {  	_ =	shalt  }
0x54: {  	_ =	shalt  }
0x55: {  	_ =	shalt  }
0x56: {  	_ =	shalt  }
0x57: {  	_ =	shalt  }
0x58: {  	_ =	shalt  }
0x59: {  	_ =	shalt  }
0x5a: {  	_ =	shalt  }
0x5b: {  	_ =	shalt  }
0x5c: {  	_ =	shalt  }
0x5d: {  	_ =	shalt  }
0x5e: {  	_ =	shalt  }
0x5f: {  	_ =	shalt  }
0x60: {  	_ =	shalt  }
0x61: {  	_ =	shalt  }
0x62: {  	_ =	shalt  }
0x63: {  	_ =	shalt  }
0x64: {  	_ =	shalt  }
0x65: {  	_ =	shalt  }
0x66: {  	_ =	shalt  }
0x67: {  	_ =	shalt  }
0x68: {  	_ =	shalt  }
0x69: {  	_ =	shalt  }
0x6a: {  	_ =	shalt  }
0x6b: {  	_ =	shalt  }
0x6c: {  	_ =	shalt  }
0x6d: {  	_ =	shalt  }
0x6e: {  	_ =	shalt  }
0x6f: {  	_ =	shalt  }
0x70: {  	_ =	shalt  }
0x71: {  	_ =	shalt  }
0x72: {  	_ =	shalt  }
0x73: {  	_ =	shalt  }
0x74: {  	_ =	shalt  }
0x75: {  	_ =	shalt  }
0x76: {  	_ =	shalt  }
0x77: {  	_ =	shalt  }
0x78: {  	_ =	shalt  }
0x79: {  	_ =	shalt  }
0x7a: {  	_ =	shalt  }
0x7b: {  	_ =	shalt  }
0x7c: {  	_ =	shalt  }
0x7d: {  	_ =	shalt  }
0x7e: {  	_ =	shalt  }
0x7f: {  	_ =	shalt  }
0x80: {  	_ =	shalt  }
0x81: {  	_ =	shalt  }
0x82: {  	_ =	shalt  }
0x83: {  	_ =	shalt  }
0x84: {  	_ =	shalt  }
0x85: {  	_ =	shalt  }
0x86: {  	_ =	shalt  }
0x87: {  	_ =	shalt  }
.Lfunc_end0:
.L_simem_size_0:
called_computation.1_lowered:
.L_overlay_start_0:
0x88: {  	s2 =	sld [smem:$0x3FD9]  }
0x89: {  	s3 =	sld [smem:$0x3FFE];
	_ =	sdelay $0x1  }
0x8a: {  	s1 =	srdreg.scid  }
0x8b: {  	s0 =	sand.u32 $0x1, s1  }
0x8c: {  	s14 =	sshll.u32 s0, $0xA;
	s2 =	sadd.s32 s3, s2  }
0x8d: {  	s2 =	sadd.s32 s2, s14  }
0x8e: {  	[smem:$0x3FC5] =	sst s2  }
0x8f: {  	_ = 	snop  }
0x90: {  	s2 =	sld [smem:$0x3FD0];
	_ =	sdelay $0x2  }
0x91: {  	s15 =	simm.s32 $0xA;
	s4 =	simm.s32 $0x10  }
0x92: {  	[smem:s4], [sflag:s15] =	dma.local [hbm:s2], $0x1  }
0x93: {  	_ =	swait.eq [sflag:s15], $0x1  }
0x94: {  	[sflag:s15] =	ssyncset.done $0x0  }
0x95: {  	[sflag:s15] =	ssyncadd.s32 $0xFFFFFFFF  }
0x96: {  	s16 =	sld [smem:$0x10];
	(tm) =	ssettm $0x1  }
0x97: {  	s17 =	sld [smem:$0x3FFB];
	_ =	sdelay $0x3  }
0x98: {  	_ =	strace s17  }
0x99: {  	s3 =	sld [smem:$0x3FFC];
	_ =	sdelay $0x3  }
0x9a: {  	_ =	strace s3  }
0x9b: {  	s3 =	sld [smem:$0x3FFD];
	_ =	sdelay $0x3  }
0x9c: {  	_ =	strace s3  }
0x9d: {  	_ =	strace $0x8FFFFFFF  }
0x9e: {  	s18 =	sld [smem:$0x3FDB];
	_ =	sdelay $0x1  }
0x9f: {  	s19 =	simm.s32 $_scs_section_size  }
0xa0: {  	s5 =	simm.s32 $_size__tile_overlayer_lowered;
	s6 =	simm.s32 $_tile_overlayer_lowered  }
0xa1: {  	s22 =	simm.s32 $0x1BFF;
	s21 =	sshll.u32 s6, $0x1;
	s3 =	sadd.s32 s19, s18  }
0xa2: {  	s7 =	simm.s32 $0x0;
	s20 =	sshll.u32 s5, $0x1;
	s5 =	sadd.s32 s21, s3  }
0xa3: {  	[timem:s7], [sflag:s22] =	dma.local [hbm:s5], s20  }
0xa4: {  	_ =	swait.ge [sflag:s22], s20  }
0xa5: {  	s4 =	ssub.s32 $0x0, s20;
	[sflag:s22] =	ssyncset.done $0x0  }
0xa6: {  	[sflag:s22] =	ssyncadd.s32 s4;
	_ =	sdelay $0x1  }
0xa7: {  	s23 =	simm.s32 $0x1B8B  }
0xa8: {  	_ =	swait.ge [sflag:s23], $0x1  }
0xa9: {  	[sflag:s23] =	ssyncset.done $0x0  }
0xaa: {  	s25 =	simm.s32 $0x1B8E;
	s24 =	sld [smem:$0x3FFE];
	[sflag:s23] =	ssyncadd.s32 $0xFFFFFFFF  }
0xab: {  	s26 =	simm.s32 $execute0_lowered;
	[smem:$0x3FD2] =	sst s25  }
0xac: {  	s5 =	sshll.u32 s26, $0x1;
	_ =	strace $0x80000046;
	[dreg:$0x1] =	wrdreg $0xFFFFFFFF  }
0xad: {  	s28 =	simm.s32 $_size_execute0_lowered;
	s3 =	sadd.s32 s3, s5;
	[dreg:$0x0] =	wrdreg $0x0  }
0xae: {  	s5 =	sshll.u32 s28, $0x1;
	[dreg:$0x2] =	wrdreg s3  }
0xaf: {  	[dreg:$0x3] =	wrdreg s5  }
0xb0: {  	[dreg:$0x4] =	wrdreg $0xC0  }
0xb1: {  	_ =	task [dreg:s7], $0x5FFFF  }
0xb2: {  	[dreg:$0x1] =	wrdreg $0xFFFFFFFF  }
0xb3: {  	[dreg:$0x0] =	wrdreg $0x60  }
0xb4: {  	[dreg:$0x2] =	wrdreg s16  }
0xb5: {  	[dreg:$0x3] =	wrdreg s24  }
0xb6: {  	[dreg:$0x4] =	wrdreg $0x9  }
0xb7: {  	_ =	task.clear_ibuf [dreg:s7], $0x5FFFF;
	_ =	strace $0x90000046  }
0xb8: {  	s29 =	simm.s32 $0x9;
	_ =	strace $0x80000048  }
0xb9: {  	_ =	swait.ge [sflag:s29], $0x1  }
0xba: {  	[sflag:s29] =	ssyncadd.s32 $0xFFFFFFFF  }
0xbb: {  	_ =	strace $0x90000048  }
0xbc: {  	_ =	sfence  }
0xbd: {  	s30 =	sld [smem:$0x0];
	_ =	sdelay $0x2  }
0xbe: {  	s31 =	sshll.u32 s1, $0xD;
	s1 =	sshrl.u32 s1, $0x2  }
0xbf: {  	s3 =	sand.u32 $0x4000, s31;
	s1 =	sadd.s32 s1, s30  }
0xc0: {  	s0 =	sor.u32 s3, s0;
	s1 =	sshll.u32 s1, $0x11  }
0xc1: {  	s0 =	sor.u32 s1, s0  }
0xc2: {  	s0 =	sadd.s32 $0x8F2B, s0  }
0xc3: {  	[sflag:s0] =	ssyncadd.remote.s32 $0x1  }
0xc4: {  	_ =	sfence.sel $0xFFFF  }
0xc5: {  	[dreg:$0x0] =	wrdreg $0xFFFFFFFF;
	(pc) =	sbr.abs _section_cstart, $3  }
0xc6: {  	[dreg:$0x1] =	wrdreg $0xFFFFFFFF  }
0xc7: {  	_ =	task.clear_ibuf [dreg:s7], $0x2FFFF;
	_ =	strace $0x9FFFFFFF  }
0xc8: {  	(tm) =	ssettm $0x7FFFFFFF  }
0xc9: {  	_ =	shalt  }
tec
execute0_lowered:
.L_overlay_start_1:
0x0: {  	(tag) =	ssettag $0x1  }
0x1: {  	s0 =	srdreg.scid  }
0x2: {  	s8 =	stileid.u32;
	s2 =	rddreg [dreg:$0x0]  }
0x3: {  	s4 =	rddreg [dreg:$0x1];
	s3 =	simm.s32 $0x0;
	s15 =	simm.s32 $0x6  }
0x4: {  	s17 =	simm.s32 $0x8680;
	s20 =	simm.s32 $0x9680;
	s28 =	simm.s32 $0xCE80  }
0x5: {  	s29 =	simm.s32 $0xD680;
	s30 =	simm.s32 $0xDE80;
	s31 =	simm.s32 $0xE680  }
0x6: {  	s16 =	simm.s32 $0xFE80;
	s18 =	simm.s32 $0x0;
	s0 =	sand.u32 $0x1, s0  }
0x7: {  	s1 =	sshll.u32 s8, $0x1;
	[smem:$0x7FF] =	sst s3;
	s10 =	smul.u32 $0x64000, s8  }
0x8: {  	s6 =	sadd.s32 $0x2E00, s4;
	s21 =	sadd.s32 $0x24200, s4;
	s11 =	smul.u32 $0x320000, s8  }
0x9: {  	s8 =	sadd.s32 $0x200, s2;
	s9 =	sadd.s32 $0x300, s2;
	s1 =	sor.u32 s0, s1  }
0xa: {  	_ =	strace $0x80000047;
	[dreg:$0x3] =	wrdreg s6;
	s24 =	smul.u32 $0x190000, s0  }
0xb: {  	s7 =	ssub.s32 $0x2, s0;
	s0 =	smul.u32 $0x32000, s0;
	s6 =	simm.s32 $0x3  }
0xc: {  	s5 =	smul.u32 $0xC8, s1;
	s1 =	sshll.u32 s1, $0x7;
	s22 =	sshrl.u32 s7, $0x1  }
0xd: {  	s25 =	sadd.s32 s10, s21;
	s10 =	simm.s32 $0x2;
	s1 =	sadd.s32 s1, s4  }
0xe: {  	s0 =	sadd.s32 s0, s25;
	s25 =	simm.s32 $0xBE80;
	s5 =	sadd.s32 s5, s4  }
0xf: {  	s4 =	ssub.s32 s7, s22;
	s7 =	sadd.s32 $0x100, s2;
	s1 =	sadd.s32 $0x23200, s1  }
0x10: {  	s12 =	sadd.s32 $0x1000, s0;
	s23 =	sadd.s32 $0x1400, s5;
	[dreg:$0x6] =	wrdreg s1  }
0x11: {  	s22 =	simm.s32 $0xA680;
	s5 =	sadd.s32 $0x21800, s5;
	[dreg:$0x4] =	wrdreg s23  }
0x12: {  	s0 =	simm.s32 $0xF680;
	s4 =	smax.u32 s4, $0x1;
	[dreg:$0x5] =	wrdreg s5  }
0x13: {  	s1 =	simm.s32 $0xEE80;
	s5 =	sadd.s32 s24, s11;
	[dreg:$0x7] =	wrdreg s4  }
0x14: {  	v2 =	vlaneseq.u32;
	vm0 =	vmmov $0xffff;
	s23 =	simm.s32 $0xAE80;
	s24 =	simm.s32 $0xB680;
	s4 =	simm.s32 $0x10680  }
0x15: {  	v3 =	vimm.f32 $0.0e+00;
	v4 =	vimm.f32 $1.000000000e+00;
	v1 =	vshrl.u32 v2, $0x3;
	s11 =	simm.s32 $0x4;
	s26 =	sshrl.u32 s5, $0x3;
	s5 =	simm.s32 $0x1  }
0x16: {  	v0 =	vand.u32 $0x7, v2;
	v2 =	vor.u32 $0x8, v2;
	v1 =	vmul.u32 $0x8, v1;
	s13 =	sadd.s32 s26, s21;
	s21 =	simm.s32 $0x9E80;
	s26 =	simm.s32 $0xC680  }
.LBB2_1:
0x17: {  	[dreg:$0x8] =	wrdreg s18  }
0x18: {  	s14 =	rddreg [dreg:$0x4]  }
0x19: {  	[tilespmem:s3], [sflag:$0x6] =	stream.linear.gather [hbm4b:s14+s3], $0x640, $0x38;
	[tilespmem:$0x11780] =	vst v63  }
0x1a: {  	_ =	swait.ge [sflag:s15], $0x640  }
0x1b: {  	[sflag:s15] =	ssyncset.done $0x0  }
0x1c: {  	s18 =	simm.s32 $0x10A80;
	s19 =	rddreg [dreg:$0x5];
	[sflag:s15] =	ssyncadd.s32 $0xFFFFF9C0  }
0x1d: {  	[tilespmem:s18], [sflag:$0x6] =	stream.linear.gather [hbm4b:s19+s3], $0x640, $0x38;
	[tilespmem:$0x11780] =	vst v63  }
0x1e: {  	_ =	swait.ge [sflag:s15], $0x640  }
0x1f: {  	s19 =	simm.s32 $0x11100;
	[sflag:s15] =	ssyncset.done $0x0  }
0x20: {  	s14 =	rddreg [dreg:$0x3];
	[sflag:s15] =	ssyncadd.s32 $0xFFFFF9C0;
	s15 =	simm.s32 $0x640  }
0x21: {  	[tilespmem:s19], [sflag:$0x5] =	stream.indirect.gather [hbm4b:s14+s15], $0x1, s18, s15, $0xb8;
	[tilespmem:$0x11780] =	vst v63  }
0x22: {  	v5 =	vld [tilespmem:$0x0];
	_ =	sdelay $0x4  }
0x23: {  	v6 =	vshll.u32 v5, $0x3  }
0x24: {  	v5 =	vand.u32 $0x7, v5;
	v6 =	vand.u32 $0xFFFFFFC0, v6  }
0x25: {  	v5 =	vor.u32 v5, v6  }
0x26: {  	v6 =	vperm.xlane v5, v0;
	_ =	sdelay $0x1  }
0x27: {  	v6 =	vadd.s32 v1, v6;
	_ =	sdelay $0x3  }
0x28: {  	s18 =	simm.s32 $0x680  }
0x29: {  	[tilespmem:s18], [sflag:$0x1] =	stream.indirect_vreg.gather [hbm4b:s2+s3], $0x80, v6, vm0, $0xb8;
	[tilespmem:$0x11780] =	vst v63  }
0x2a: {  	s19 =	simm.s32 $0xE80;
	v5 =	vperm.xlane v5, v2  }
0x2b: {  	[tilespmem:s19], [sflag:$0x1] =	stream.indirect_vreg.gather [hbm4b:s7+s3], $0x80, v6, vm0, $0xb8;
	[tilespmem:$0x11780] =	vst v63  }
0x2c: {  	s15 =	simm.s32 $0x1680;
	v5 =	vadd.s32 v1, v5  }
0x2d: {  	[tilespmem:s15], [sflag:$0x1] =	stream.indirect_vreg.gather [hbm4b:s8+s3], $0x80, v6, vm0, $0xb8;
	[tilespmem:$0x11780] =	vst v63  }
0x2e: {  	s18 =	simm.s32 $0x1E80  }
0x2f: {  	[tilespmem:s18], [sflag:$0x1] =	stream.indirect_vreg.gather [hbm4b:s9+s3], $0x80, v6, vm0, $0xb8;
	[tilespmem:$0x11780] =	vst v63  }
0x30: {  	s19 =	simm.s32 $0x2680  }
0x31: {  	[tilespmem:s19], [sflag:$0x1] =	stream.indirect_vreg.gather [hbm4b:s2+s3], $0x80, v5, vm0, $0xb8;
	[tilespmem:$0x11780] =	vst v63  }
0x32: {  	s15 =	simm.s32 $0x2E80  }
0x33: {  	[tilespmem:s15], [sflag:$0x1] =	stream.indirect_vreg.gather [hbm4b:s7+s3], $0x80, v5, vm0, $0xb8;
	[tilespmem:$0x11780] =	vst v63  }
0x34: {  	s18 =	simm.s32 $0x3680  }
0x35: {  	[tilespmem:s18], [sflag:$0x1] =	stream.indirect_vreg.gather [hbm4b:s8+s3], $0x80, v5, vm0, $0xb8;
	[tilespmem:$0x11780] =	vst v63  }
0x36: {  	s19 =	simm.s32 $0x3E80  }
0x37: {  	[tilespmem:s19], [sflag:$0x1] =	stream.indirect_vreg.gather [hbm4b:s9+s3], $0x80, v5, vm0, $0xb8;
	[tilespmem:$0x11780] =	vst v63  }
0x38: {  	v5 =	vld [tilespmem:$0x10];
	_ =	sdelay $0x4  }
0x39: {  	v6 =	vshll.u32 v5, $0x3  }
0x3a: {  	v5 =	vand.u32 $0x7, v5;
	v6 =	vand.u32 $0xFFFFFFC0, v6  }
0x3b: {  	v5 =	vor.u32 v5, v6  }
0x3c: {  	v6 =	vperm.xlane v5, v0;
	_ =	sdelay $0x1  }
0x3d: {  	v6 =	vadd.s32 v1, v6;
	_ =	sdelay $0x3  }
0x3e: {  	s15 =	simm.s32 $0x4680  }
0x3f: {  	[tilespmem:s15], [sflag:$0x1] =	stream.indirect_vreg.gather [hbm4b:s2+s3], $0x80, v6, vm0, $0xb8;
	[tilespmem:$0x11780] =	vst v63  }
0x40: {  	s18 =	simm.s32 $0x4E80;
	v5 =	vperm.xlane v5, v2  }
0x41: {  	[tilespmem:s18], [sflag:$0x1] =	stream.indirect_vreg.gather [hbm4b:s7+s3], $0x80, v6, vm0, $0xb8;
	[tilespmem:$0x11780] =	vst v63  }
0x42: {  	s19 =	simm.s32 $0x5680;
	v5 =	vadd.s32 v1, v5  }
0x43: {  	[tilespmem:s19], [sflag:$0x1] =	stream.indirect_vreg.gather [hbm4b:s8+s3], $0x80, v6, vm0, $0xb8;
	[tilespmem:$0x11780] =	vst v63  }
0x44: {  	s15 =	simm.s32 $0x5E80  }
0x45: {  	[tilespmem:s15], [sflag:$0x1] =	stream.indirect_vreg.gather [hbm4b:s9+s3], $0x80, v6, vm0, $0xb8;
	[tilespmem:$0x11780] =	vst v63  }
0x46: {  	s18 =	simm.s32 $0x6680  }
0x47: {  	[tilespmem:s18], [sflag:$0x1] =	stream.indirect_vreg.gather [hbm4b:s2+s3], $0x80, v5, vm0, $0xb8;
	[tilespmem:$0x11780] =	vst v63  }
0x48: {  	s19 =	simm.s32 $0x6E80  }
0x49: {  	[tilespmem:s19], [sflag:$0x1] =	stream.indirect_vreg.gather [hbm4b:s7+s3], $0x80, v5, vm0, $0xb8;
	[tilespmem:$0x11780] =	vst v63  }
0x4a: {  	s15 =	simm.s32 $0x7680  }
0x4b: {  	[tilespmem:s15], [sflag:$0x1] =	stream.indirect_vreg.gather [hbm4b:s8+s3], $0x80, v5, vm0, $0xb8;
	[tilespmem:$0x11780] =	vst v63  }
0x4c: {  	s18 =	simm.s32 $0x7E80  }
0x4d: {  	[tilespmem:s18], [sflag:$0x1] =	stream.indirect_vreg.gather [hbm4b:s9+s3], $0x80, v5, vm0, $0xb8;
	[tilespmem:$0x11780] =	vst v63  }
0x4e: {  	v5 =	vld [tilespmem:$0x20];
	_ =	sdelay $0x4  }
0x4f: {  	v6 =	vshll.u32 v5, $0x3  }
0x50: {  	v5 =	vand.u32 $0x7, v5;
	v6 =	vand.u32 $0xFFFFFFC0, v6  }
0x51: {  	v5 =	vor.u32 v5, v6  }
0x52: {  	v6 =	vperm.xlane v5, v0;
	_ =	sdelay $0x1  }
0x53: {  	v6 =	vadd.s32 v1, v6;
	_ =	sdelay $0x4  }
0x54: {  	[tilespmem:s17], [sflag:$0x2] =	stream.indirect_vreg.gather [hbm4b:s2+s3], $0x80, v6, vm0, $0xb8;
	[tilespmem:$0x11780] =	vst v63  }
0x55: {  	s19 =	simm.s32 $0x8E80;
	v5 =	vperm.xlane v5, v2  }
0x56: {  	[tilespmem:s19], [sflag:$0x2] =	stream.indirect_vreg.gather [hbm4b:s7+s3], $0x80, v6, vm0, $0xb8;
	[tilespmem:$0x11780] =	vst v63  }
0x57: {  	v5 =	vadd.s32 v1, v5  }
0x58: {  	[tilespmem:s20], [sflag:$0x2] =	stream.indirect_vreg.gather [hbm4b:s8+s3], $0x80, v6, vm0, $0xb8;
	[tilespmem:$0x11780] =	vst v63  }
0x59: {  	_ = 	snop  }
0x5a: {  	[tilespmem:s21], [sflag:$0x2] =	stream.indirect_vreg.gather [hbm4b:s9+s3], $0x80, v6, vm0, $0xb8;
	[tilespmem:$0x11780] =	vst v63  }
0x5b: {  	_ = 	snop  }
0x5c: {  	[tilespmem:s22], [sflag:$0x2] =	stream.indirect_vreg.gather [hbm4b:s2+s3], $0x80, v5, vm0, $0xb8;
	[tilespmem:$0x11780] =	vst v63  }
0x5d: {  	_ = 	snop  }
0x5e: {  	[tilespmem:s23], [sflag:$0x2] =	stream.indirect_vreg.gather [hbm4b:s7+s3], $0x80, v5, vm0, $0xb8;
	[tilespmem:$0x11780] =	vst v63  }
0x5f: {  	_ = 	snop  }
0x60: {  	[tilespmem:s24], [sflag:$0x2] =	stream.indirect_vreg.gather [hbm4b:s8+s3], $0x80, v5, vm0, $0xb8;
	[tilespmem:$0x11780] =	vst v63  }
0x61: {  	_ = 	snop  }
0x62: {  	[tilespmem:s25], [sflag:$0x2] =	stream.indirect_vreg.gather [hbm4b:s9+s3], $0x80, v5, vm0, $0xb8;
	[tilespmem:$0x11780] =	vst v63  }
0x63: {  	v5 =	vld [tilespmem:$0x30];
	_ =	sdelay $0x4  }
0x64: {  	v6 =	vshll.u32 v5, $0x3  }
0x65: {  	v5 =	vand.u32 $0x7, v5;
	v6 =	vand.u32 $0xFFFFFFC0, v6  }
0x66: {  	v5 =	vor.u32 v5, v6  }
0x67: {  	v6 =	vperm.xlane v5, v0;
	_ =	sdelay $0x1  }
0x68: {  	v6 =	vadd.s32 v1, v6;
	_ =	sdelay $0x4  }
0x69: {  	[tilespmem:s26], [sflag:$0x2] =	stream.indirect_vreg.gather [hbm4b:s2+s3], $0x80, v6, vm0, $0xb8;
	[tilespmem:$0x11780] =	vst v63  }
0x6a: {  	v5 =	vperm.xlane v5, v2  }
0x6b: {  	[tilespmem:s28], [sflag:$0x2] =	stream.indirect_vreg.gather [hbm4b:s7+s3], $0x80, v6, vm0, $0xb8;
	[tilespmem:$0x11780] =	vst v63  }
0x6c: {  	v5 =	vadd.s32 v1, v5  }
0x6d: {  	[tilespmem:s29], [sflag:$0x2] =	stream.indirect_vreg.gather [hbm4b:s8+s3], $0x80, v6, vm0, $0xb8;
	[tilespmem:$0x11780] =	vst v63  }
0x6e: {  	_ = 	snop  }
0x6f: {  	[tilespmem:s30], [sflag:$0x2] =	stream.indirect_vreg.gather [hbm4b:s9+s3], $0x80, v6, vm0, $0xb8;
	[tilespmem:$0x11780] =	vst v63  }
0x70: {  	_ = 	snop  }
0x71: {  	[tilespmem:s31], [sflag:$0x2] =	stream.indirect_vreg.gather [hbm4b:s2+s3], $0x80, v5, vm0, $0xb8;
	[tilespmem:$0x11780] =	vst v63  }
0x72: {  	_ = 	snop  }
0x73: {  	[tilespmem:s1], [sflag:$0x2] =	stream.indirect_vreg.gather [hbm4b:s7+s3], $0x80, v5, vm0, $0xb8;
	[tilespmem:$0x11780] =	vst v63  }
0x74: {  	_ = 	snop  }
0x75: {  	[tilespmem:s0], [sflag:$0x2] =	stream.indirect_vreg.gather [hbm4b:s8+s3], $0x80, v5, vm0, $0xb8;
	[tilespmem:$0x11780] =	vst v63  }
0x76: {  	s14 =	simm.s32 $0x40;
	s15 =	simm.s32 $0x0  }
0x77: {  	[tilespmem:s16], [sflag:$0x2] =	stream.indirect_vreg.gather [hbm4b:s9+s3], $0x80, v5, vm0, $0xb8;
	[tilespmem:$0x11780] =	vst v63  }
.LBB2_2:
0x78: {  	p0 =	sne.s32 s14, $0xFC0;
	[tilespmem:s15+$0x10680] =	vst v3;
	s15 =	smov.u32 s14;
	s14 =	sadd.s32 $0x40, s14  }
.Ltmp0:
0x79: {  	(pc) =	sbr.rel @p0 .LBB2_2-.Ltmp0, $2  }
0x7a: {  	_ =	sdelay $0x2  }
0x7b: {  	s15 =	sshra.s32 s15, $0x2  }
0x7c: {  	[tilespmem:s15+$0x10680] =	vst v3;
	s14 =	simm.s32 $0x0;
	s15 =	simm.s32 $0x0  }
.LBB2_4:
0x7d: {  	s18 =	sshra.s32 s15, $0x2  }
0x7e: {  	v5 =	vld [tilespmem:s18+$0x0];
	_ =	sdelay $0x2  }
0x7f: {  	p0 =	sne.s32 s15, $0x18C0  }
.Ltmp1:
0x80: {  	_ = 	snop;
	(pc) =	sbr.rel @p0 .LBB2_4-.Ltmp1, $2  }
0x81: {  	_ =	sdelay $0x2  }
0x82: {  	s15 =	sadd.s32 $0x40, s15;
	[tilespmem:v5+s4+$0x0] =	vst.idx.add.f32.msk $0xffff, v4  }
0x83: {  	s15 =	simm.s32 $0x70  }
.LBB2_6:
0x84: {  	_ =	swait.ge [sflag:s5], $0x8000  }
0x85: {  	[sflag:s5] =	ssyncset.done $0x0  }
0x86: {  	s18 =	sadd.s32 s14, s13;
	s19 =	simm.s32 $0x680;
	[sflag:s5] =	ssyncadd.s32 $0xFFFF8000  }
0x87: {  	[hbm4b:s18+s3] =	stream.linear.scatter [tilespmem:s19], [sflag:$0x3], $0x8000, $0x38;
	[tilespmem:$0x11780] =	vst v63  }
0x88: {  	_ =	swait.ge [sflag:s6], $0x8000  }
0x89: {  	[sflag:s6] =	ssyncset.done $0x0  }
0x8a: {  	p0 =	seq.s32 s14, $0x30000;
	[sflag:s6] =	ssyncadd.s32 $0xFFFF8000  }
0x8b: {  	v5 =	vld @!p0 [tilespmem:s15+$0xFFFFFFD0];
	_ =	sdelay $0x4  }
0x8c: {  	v6 =	vshll.u32 @!p0 v5, $0x3  }
0x8d: {  	v7 =	vlaneseq.u32 @!p0;
	v5 =	vand.u32 @!p0 $0x7, v5;
	v6 =	vand.u32 @!p0 $0xFFFFFFC0, v6  }
0x8e: {  	v8 =	vshrl.u32 @!p0 v7, $0x3;
	v5 =	vor.u32 @!p0 v5, v6;
	v6 =	vand.u32 @!p0 $0x7, v7  }
0x8f: {  	v8 =	vmul.u32 @!p0 $0x8, v8;
	v9 =	vperm.xlane @!p0 v5, v6;
	_ =	sdelay $0x1  }
0x90: {  	v9 =	vadd.s32 @!p0 v8, v9;
	_ =	sdelay $0x3  }
0x91: {  	vm1 =	vmmov @!p0 $0xffff;
	s18 =	simm.s32 @!p0 $0x0;
	s19 =	simm.s32 @!p0 $0x680  }
0x92: {  	v7 =	vor.u32 @!p0 $0x8, v7;
	[tilespmem:s19], [sflag:$0x1] =	stream.indirect_vreg.gather @!p0 [hbm4b:s2+s18], $0x80, v9, vm1, $0xb8;
	[tilespmem:$0x11780] =	vst v63  }
0x93: {  	v5 =	vperm.xlane @!p0 v5, v7;
	s19 =	simm.s32 @!p0 $0xE80  }
0x94: {  	[tilespmem:s19], [sflag:$0x1] =	stream.indirect_vreg.gather @!p0 [hbm4b:s7+s18], $0x80, v9, vm1, $0xb8;
	[tilespmem:$0x11780] =	vst v63  }
0x95: {  	v5 =	vadd.s32 @!p0 v8, v5;
	s19 =	simm.s32 @!p0 $0x1680  }
0x96: {  	[tilespmem:s19], [sflag:$0x1] =	stream.indirect_vreg.gather @!p0 [hbm4b:s8+s18], $0x80, v9, vm1, $0xb8;
	[tilespmem:$0x11780] =	vst v63  }
0x97: {  	s19 =	simm.s32 @!p0 $0x1E80  }
0x98: {  	[tilespmem:s19], [sflag:$0x1] =	stream.indirect_vreg.gather @!p0 [hbm4b:s9+s18], $0x80, v9, vm1, $0xb8;
	[tilespmem:$0x11780] =	vst v63  }
0x99: {  	s19 =	simm.s32 @!p0 $0x2680  }
0x9a: {  	[tilespmem:s19], [sflag:$0x1] =	stream.indirect_vreg.gather @!p0 [hbm4b:s2+s18], $0x80, v5, vm1, $0xb8;
	[tilespmem:$0x11780] =	vst v63  }
0x9b: {  	s19 =	simm.s32 @!p0 $0x2E80  }
0x9c: {  	[tilespmem:s19], [sflag:$0x1] =	stream.indirect_vreg.gather @!p0 [hbm4b:s7+s18], $0x80, v5, vm1, $0xb8;
	[tilespmem:$0x11780] =	vst v63  }
0x9d: {  	s19 =	simm.s32 @!p0 $0x3680  }
0x9e: {  	[tilespmem:s19], [sflag:$0x1] =	stream.indirect_vreg.gather @!p0 [hbm4b:s8+s18], $0x80, v5, vm1, $0xb8;
	[tilespmem:$0x11780] =	vst v63  }
0x9f: {  	s19 =	simm.s32 @!p0 $0x3E80  }
0xa0: {  	[tilespmem:s19], [sflag:$0x1] =	stream.indirect_vreg.gather @!p0 [hbm4b:s9+s18], $0x80, v5, vm1, $0xb8;
	[tilespmem:$0x11780] =	vst v63  }
0xa1: {  	v5 =	vld @!p0 [tilespmem:s15+$0xFFFFFFE0];
	_ =	sdelay $0x4  }
0xa2: {  	v9 =	vshll.u32 @!p0 v5, $0x3  }
0xa3: {  	v5 =	vand.u32 @!p0 $0x7, v5;
	v9 =	vand.u32 @!p0 $0xFFFFFFC0, v9  }
0xa4: {  	v5 =	vor.u32 @!p0 v5, v9  }
0xa5: {  	v6 =	vperm.xlane @!p0 v5, v6;
	_ =	sdelay $0x1  }
0xa6: {  	v6 =	vadd.s32 @!p0 v8, v6;
	_ =	sdelay $0x3  }
0xa7: {  	s19 =	simm.s32 @!p0 $0x4680  }
0xa8: {  	[tilespmem:s19], [sflag:$0x1] =	stream.indirect_vreg.gather @!p0 [hbm4b:s2+s18], $0x80, v6, vm1, $0xb8;
	[tilespmem:$0x11780] =	vst v63  }
0xa9: {  	v5 =	vperm.xlane @!p0 v5, v7;
	s19 =	simm.s32 @!p0 $0x4E80  }
0xaa: {  	[tilespmem:s19], [sflag:$0x1] =	stream.indirect_vreg.gather @!p0 [hbm4b:s7+s18], $0x80, v6, vm1, $0xb8;
	[tilespmem:$0x11780] =	vst v63  }
0xab: {  	v5 =	vadd.s32 @!p0 v8, v5;
	s19 =	simm.s32 @!p0 $0x5680  }
0xac: {  	[tilespmem:s19], [sflag:$0x1] =	stream.indirect_vreg.gather @!p0 [hbm4b:s8+s18], $0x80, v6, vm1, $0xb8;
	[tilespmem:$0x11780] =	vst v63  }
0xad: {  	s19 =	simm.s32 @!p0 $0x5E80  }
0xae: {  	[tilespmem:s19], [sflag:$0x1] =	stream.indirect_vreg.gather @!p0 [hbm4b:s9+s18], $0x80, v6, vm1, $0xb8;
	[tilespmem:$0x11780] =	vst v63  }
0xaf: {  	s19 =	simm.s32 @!p0 $0x6680  }
0xb0: {  	[tilespmem:s19], [sflag:$0x1] =	stream.indirect_vreg.gather @!p0 [hbm4b:s2+s18], $0x80, v5, vm1, $0xb8;
	[tilespmem:$0x11780] =	vst v63  }
0xb1: {  	s19 =	simm.s32 @!p0 $0x6E80  }
0xb2: {  	[tilespmem:s19], [sflag:$0x1] =	stream.indirect_vreg.gather @!p0 [hbm4b:s7+s18], $0x80, v5, vm1, $0xb8;
	[tilespmem:$0x11780] =	vst v63  }
0xb3: {  	s19 =	simm.s32 @!p0 $0x7680  }
0xb4: {  	[tilespmem:s19], [sflag:$0x1] =	stream.indirect_vreg.gather @!p0 [hbm4b:s8+s18], $0x80, v5, vm1, $0xb8;
	[tilespmem:$0x11780] =	vst v63  }
0xb5: {  	s19 =	simm.s32 @!p0 $0x7E80  }
0xb6: {  	[tilespmem:s19], [sflag:$0x1] =	stream.indirect_vreg.gather @!p0 [hbm4b:s9+s18], $0x80, v5, vm1, $0xb8;
	[tilespmem:$0x11780] =	vst v63  }
0xb7: {  	_ =	swait.ge [sflag:s10], $0x8000  }
0xb8: {  	[sflag:s10] =	ssyncset.done $0x0  }
.Ltmp2:
0xb9: {  	s19 =	sadd.s32 s14, s12;
	[sflag:s10] =	ssyncadd.s32 $0xFFFF8000;
	(pc) =	sbr.rel @p0 .LBB2_8-.Ltmp2, $4  }
0xba: {  	[hbm4b:s19+s3] =	stream.linear.scatter [tilespmem:s17], [sflag:$0x4], $0x8000, $0x38;
	[tilespmem:$0x11780] =	vst v63  }
0xbb: {  	_ =	swait.ge [sflag:s11], $0x8000  }
0xbc: {  	[sflag:s11] =	ssyncset.done $0x0  }
0xbd: {  	[sflag:s11] =	ssyncadd.s32 $0xFFFF8000  }
0xbe: {  	v5 =	vld [tilespmem:s15+$0xFFFFFFF0];
	_ =	sdelay $0x4  }
0xbf: {  	v6 =	vshll.u32 v5, $0x3  }
0xc0: {  	v5 =	vand.u32 $0x7, v5;
	v6 =	vand.u32 $0xFFFFFFC0, v6  }
0xc1: {  	v5 =	vor.u32 v5, v6  }
0xc2: {  	v6 =	vperm.xlane v5, v0;
	_ =	sdelay $0x1  }
0xc3: {  	v6 =	vadd.s32 v1, v6;
	_ =	sdelay $0x4  }
0xc4: {  	[tilespmem:s17], [sflag:$0x2] =	stream.indirect_vreg.gather [hbm4b:s2+s3], $0x80, v6, vm0, $0xb8;
	[tilespmem:$0x11780] =	vst v63  }
0xc5: {  	s18 =	simm.s32 $0x8E80;
	v5 =	vperm.xlane v5, v2  }
0xc6: {  	[tilespmem:s18], [sflag:$0x2] =	stream.indirect_vreg.gather [hbm4b:s7+s3], $0x80, v6, vm0, $0xb8;
	[tilespmem:$0x11780] =	vst v63  }
0xc7: {  	v5 =	vadd.s32 v1, v5  }
0xc8: {  	[tilespmem:s20], [sflag:$0x2] =	stream.indirect_vreg.gather [hbm4b:s8+s3], $0x80, v6, vm0, $0xb8;
	[tilespmem:$0x11780] =	vst v63  }
0xc9: {  	_ = 	snop  }
0xca: {  	[tilespmem:s21], [sflag:$0x2] =	stream.indirect_vreg.gather [hbm4b:s9+s3], $0x80, v6, vm0, $0xb8;
	[tilespmem:$0x11780] =	vst v63  }
0xcb: {  	_ = 	snop  }
0xcc: {  	[tilespmem:s22], [sflag:$0x2] =	stream.indirect_vreg.gather [hbm4b:s2+s3], $0x80, v5, vm0, $0xb8;
	[tilespmem:$0x11780] =	vst v63  }
0xcd: {  	_ = 	snop  }
0xce: {  	[tilespmem:s23], [sflag:$0x2] =	stream.indirect_vreg.gather [hbm4b:s7+s3], $0x80, v5, vm0, $0xb8;
	[tilespmem:$0x11780] =	vst v63  }
0xcf: {  	_ = 	snop  }
0xd0: {  	[tilespmem:s24], [sflag:$0x2] =	stream.indirect_vreg.gather [hbm4b:s8+s3], $0x80, v5, vm0, $0xb8;
	[tilespmem:$0x11780] =	vst v63  }
0xd1: {  	_ = 	snop  }
0xd2: {  	[tilespmem:s25], [sflag:$0x2] =	stream.indirect_vreg.gather [hbm4b:s9+s3], $0x80, v5, vm0, $0xb8;
	[tilespmem:$0x11780] =	vst v63  }
0xd3: {  	v5 =	vld [tilespmem:s15+$0x0];
	_ =	sdelay $0x4  }
0xd4: {  	v6 =	vshll.u32 v5, $0x3  }
0xd5: {  	v5 =	vand.u32 $0x7, v5;
	v6 =	vand.u32 $0xFFFFFFC0, v6  }
0xd6: {  	v5 =	vor.u32 v5, v6  }
0xd7: {  	v6 =	vperm.xlane v5, v0;
	_ =	sdelay $0x1  }
0xd8: {  	v6 =	vadd.s32 v1, v6;
	_ =	sdelay $0x4  }
0xd9: {  	[tilespmem:s26], [sflag:$0x2] =	stream.indirect_vreg.gather [hbm4b:s2+s3], $0x80, v6, vm0, $0xb8;
	[tilespmem:$0x11780] =	vst v63  }
0xda: {  	v5 =	vperm.xlane v5, v2  }
0xdb: {  	[tilespmem:s28], [sflag:$0x2] =	stream.indirect_vreg.gather [hbm4b:s7+s3], $0x80, v6, vm0, $0xb8;
	[tilespmem:$0x11780] =	vst v63  }
0xdc: {  	v5 =	vadd.s32 v1, v5  }
0xdd: {  	[tilespmem:s29], [sflag:$0x2] =	stream.indirect_vreg.gather [hbm4b:s8+s3], $0x80, v6, vm0, $0xb8;
	[tilespmem:$0x11780] =	vst v63  }
0xde: {  	_ = 	snop  }
0xdf: {  	[tilespmem:s30], [sflag:$0x2] =	stream.indirect_vreg.gather [hbm4b:s9+s3], $0x80, v6, vm0, $0xb8;
	[tilespmem:$0x11780] =	vst v63  }
0xe0: {  	_ = 	snop  }
0xe1: {  	[tilespmem:s31], [sflag:$0x2] =	stream.indirect_vreg.gather [hbm4b:s2+s3], $0x80, v5, vm0, $0xb8;
	[tilespmem:$0x11780] =	vst v63  }
0xe2: {  	_ = 	snop  }
0xe3: {  	[tilespmem:s1], [sflag:$0x2] =	stream.indirect_vreg.gather [hbm4b:s7+s3], $0x80, v5, vm0, $0xb8;
	[tilespmem:$0x11780] =	vst v63  }
.Ltmp3:
0xe4: {  	_ = 	snop;
	(pc) =	sbr.rel .LBB2_6-.Ltmp3, $4  }
0xe5: {  	_ = 	snop  }
0xe6: {  	[tilespmem:s0], [sflag:$0x2] =	stream.indirect_vreg.gather [hbm4b:s8+s3], $0x80, v5, vm0, $0xb8;
	[tilespmem:$0x11780] =	vst v63  }
0xe7: {  	s14 =	sadd.s32 $0x2000, s14;
	s15 =	sadd.s32 $0x40, s15  }
0xe8: {  	[tilespmem:s16], [sflag:$0x2] =	stream.indirect_vreg.gather [hbm4b:s9+s3], $0x80, v5, vm0, $0xb8;
	[tilespmem:$0x11780] =	vst v63  }
.LBB2_8:
0xe9: {  	s14 =	simm.s32 $0x5  }
0xea: {  	_ =	swait.ge [sflag:s14], $0x640  }
0xeb: {  	[sflag:s14] =	ssyncset.done $0x0  }
0xec: {  	s15 =	simm.s32 $0x0;
	[sflag:s14] =	ssyncadd.s32 $0xFFFFF9C0  }
0xed: {  	v5 =	vimm.f32 $0.0e+00;
	s14 =	simm.s32 $0x40;
	v6 =	vld [tilespmem:s15+$0x11100]  }
.LBB2_9:
0xee: {  	p0 =	sne.s32 s14, $0x18C0  }
.Ltmp4:
0xef: {  	_ = 	snop;
	(pc) =	sbr.rel @p0 .LBB2_9-.Ltmp4, $3  }
0xf0: {  	_ =	sdelay $0x1  }
0xf1: {  	s15 =	sshra.s32 s14, $0x2;
	s14 =	sadd.s32 $0x40, s14;
	v5 =	vadd.f32 v6, v5  }
0xf2: {  	v6 =	vld [tilespmem:s15+$0x11100]  }
0xf3: {  	_ =	sdelay $0x3  }
0xf4: {  	v5 =	vadd.f32 v6, v5;
	_ =	sdelay $0x1  }
0xf5: {  	s14 =	rddreg [dreg:$0x6];
	s15 =	simm.s32 $0x6;
	[tilespmem:$0x10A70] =	vst v5  }
0xf6: {  	[hbm4b:s14+s3] =	stream.linear.scatter [tilespmem:s4], [sflag:$0x6], $0x400, $0x38;
	[tilespmem:$0x11780] =	vst v63  }
0xf7: {  	_ =	swait.ge [sflag:s15], $0x400  }
0xf8: {  	s18 =	rddreg [dreg:$0x8]  }
0xf9: {  	s19 =	rddreg [dreg:$0x7];
	s18 =	sadd.s32 $0x1, s18  }
0xfa: {  	p0 =	sne.s32 s18, s19  }
.Ltmp5:
0xfb: {  	_ = 	snop;
	(pc) =	sbr.rel @p0 .LBB2_1-.Ltmp5, $3  }
0xfc: {  	_ =	sdelay $0x1  }
0xfd: {  	[sflag:s15] =	ssyncset.done $0x0  }
0xfe: {  	[sflag:s15] =	ssyncadd.s32 $0xFFFFFC00  }
0xff: {  	_ =	sfence.sel $0x180000  }
0x100: {  	[bflag:$0x0] =	sbarrier.arrive $0xFFFF  }
0x101: {  	_ =	strace $0x90000047  }
0x102: {  	s0 =	stileid.u32;
	[bflag:$0x2] =	sbarrier.arrive $0xFFFF  }
0x103: {  	p0 =	sne.s32 s0, $0x0;
	s0 =	rddreg [dreg:$0x2]  }
0x104: {  	s0 =	sadd.s32 @!p0 $0x100000, s0  }
0x105: {  	[sflag:s0] =	ssyncadd.tile.s32 @!p0 $0x1;
	_ =	shalt  }
.Lfunc_end2:
_tile_overlayer_lowered:
.L_overlay_start_2:
0x106: {  	(tag) =	ssettag $0x2  }
0x107: {  	s0 =	rddreg [dreg:$0x0];
	s2 =	stileid.u32  }
0x108: {  	s1 =	rddreg [dreg:$0x1];
	p0 =	sne.s32 s2, $0x0  }
0x109: {  	s3 =	rddreg [dreg:$0x2];
	[bflag:$0x3] =	sbarrier.arrive $0xFFFF;
	s2 =	simm.s32 @!p0 $0x1C06  }
0x10a: {  	[timem:s3], [sflag:s2] =	dma.local @!p0 [hbm:s0], s1  }
0x10b: {  	s0 =	simm.s32 @!p0 $0x6  }
0x10c: {  	_ =	swait.ge @!p0 [sflag:s0], s1  }
0x10d: {  	s1 =	ssub.s32 @!p0 $0x0, s1;
	[sflag:s0] =	ssyncset.done @!p0 $0x0  }
0x10e: {  	[sflag:s0] =	ssyncadd.s32 @!p0 s1  }
0x10f: {  	[bflag:$0x3] =	sbarrier.arrive $0xFFFF  }
0x110: {  	_ =	shalt  }

// kernel: sparse-core-data-format-call.cloned.1.call-start
scs
called_computation_lowered:
.L_overlay_start_0:
0x0: {  	s2 =	sld [smem:$0x3FD9]  }
0x1: {  	s3 =	sld [smem:$0x3FFE];
	_ =	sdelay $0x1  }
0x2: {  	s1 =	srdreg.scid  }
0x3: {  	s0 =	sand.u32 $0x1, s1  }
0x4: {  	s15 =	sshll.u32 s0, $0xA;
	s2 =	sadd.s32 s3, s2  }
0x5: {  	s2 =	sadd.s32 s2, s15  }
0x6: {  	[smem:$0x3FC5] =	sst s2  }
0x7: {  	_ = 	snop  }
0x8: {  	s2 =	sld [smem:$0x3FD0];
	_ =	sdelay $0x2  }
0x9: {  	s16 =	simm.s32 $0xA;
	s4 =	simm.s32 $0x10  }
0xa: {  	[smem:s4], [sflag:s16] =	dma.local [hbm:s2], $0x1  }
0xb: {  	_ =	swait.eq [sflag:s16], $0x1  }
0xc: {  	[sflag:s16] =	ssyncset.done $0x0  }
0xd: {  	[sflag:s16] =	ssyncadd.s32 $0xFFFFFFFF  }
0xe: {  	s17 =	sld [smem:$0x10];
	(tm) =	ssettm $0x1  }
0xf: {  	s18 =	sld [smem:$0x3FFB];
	_ =	sdelay $0x3  }
0x10: {  	_ =	strace s18  }
0x11: {  	s3 =	sld [smem:$0x3FFC];
	_ =	sdelay $0x3  }
0x12: {  	_ =	strace s3  }
0x13: {  	s3 =	sld [smem:$0x3FFD];
	_ =	sdelay $0x3  }
0x14: {  	_ =	strace s3  }
0x15: {  	_ =	strace $0x8FFFFFFF  }
0x16: {  	s19 =	sld [smem:$0x3FDB];
	_ =	sdelay $0x1  }
0x17: {  	s20 =	simm.s32 $_scs_section_size  }
0x18: {  	s5 =	simm.s32 $_size__tile_overlayer_lowered;
	s6 =	simm.s32 $_tile_overlayer_lowered  }
0x19: {  	s23 =	simm.s32 $0x1BFF;
	s22 =	sshll.u32 s6, $0x1;
	s3 =	sadd.s32 s20, s19  }
0x1a: {  	s7 =	simm.s32 $0x0;
	s21 =	sshll.u32 s5, $0x1;
	s5 =	sadd.s32 s22, s3  }
0x1b: {  	[timem:s7], [sflag:s23] =	dma.local [hbm:s5], s21  }
0x1c: {  	_ =	swait.ge [sflag:s23], s21  }
0x1d: {  	s4 =	ssub.s32 $0x0, s21;
	[sflag:s23] =	ssyncset.done $0x0  }
0x1e: {  	[sflag:s23] =	ssyncadd.s32 s4;
	_ =	sdelay $0x1  }
0x1f: {  	s24 =	simm.s32 $0x1B8B  }
0x20: {  	_ =	swait.ge [sflag:s24], $0x1  }
0x21: {  	[sflag:s24] =	ssyncset.done $0x0  }
0x22: {  	s26 =	simm.s32 $0x1B8E;
	s25 =	sld [smem:$0x3FFE];
	[sflag:s24] =	ssyncadd.s32 $0xFFFFFFFF  }
0x23: {  	s27 =	simm.s32 $execute0_lowered;
	[smem:$0x3FD2] =	sst s26  }
0x24: {  	s5 =	sshll.u32 s27, $0x1;
	_ =	strace $0x80000049;
	[dreg:$0x1] =	wrdreg $0xFFFFFFFF  }
0x25: {  	s28 =	simm.s32 $_size_execute0_lowered;
	s3 =	sadd.s32 s3, s5;
	[dreg:$0x0] =	wrdreg $0x0  }
0x26: {  	s5 =	sshll.u32 s28, $0x1;
	[dreg:$0x2] =	wrdreg s3  }
0x27: {  	[dreg:$0x3] =	wrdreg s5  }
0x28: {  	[dreg:$0x4] =	wrdreg $0xC0  }
0x29: {  	_ =	task [dreg:s7], $0x5FFFF  }
0x2a: {  	[dreg:$0x1] =	wrdreg $0xFFFFFFFF  }
0x2b: {  	[dreg:$0x0] =	wrdreg $0x60  }
0x2c: {  	[dreg:$0x2] =	wrdreg s25  }
0x2d: {  	[dreg:$0x3] =	wrdreg s17  }
0x2e: {  	[dreg:$0x4] =	wrdreg $0x9  }
0x2f: {  	_ =	task.clear_ibuf [dreg:s7], $0x5FFFF;
	_ =	strace $0x90000049  }
0x30: {  	s29 =	simm.s32 $0x9;
	_ =	strace $0x8000004B  }
0x31: {  	_ =	swait.ge [sflag:s29], $0x1  }
0x32: {  	[sflag:s29] =	ssyncadd.s32 $0xFFFFFFFF  }
0x33: {  	_ =	strace $0x9000004B  }
0x34: {  	_ =	sfence  }
0x35: {  	s30 =	sld [smem:$0x0];
	_ =	sdelay $0x2  }
0x36: {  	s31 =	sshll.u32 s1, $0xD;
	s1 =	sshrl.u32 s1, $0x2  }
0x37: {  	s3 =	sand.u32 $0x4000, s31;
	s1 =	sadd.s32 s1, s30  }
0x38: {  	s0 =	sor.u32 s3, s0;
	s1 =	sshll.u32 s1, $0x11  }
0x39: {  	s0 =	sor.u32 s1, s0  }
0x3a: {  	s0 =	sadd.s32 $0x8F2B, s0  }
0x3b: {  	[sflag:s0] =	ssyncadd.remote.s32 $0x1  }
0x3c: {  	_ =	sfence.sel $0xFFFF  }
0x3d: {  	[dreg:$0x0] =	wrdreg $0xFFFFFFFF;
	(pc) =	sbr.abs _section_cstart, $3  }
0x3e: {  	[dreg:$0x1] =	wrdreg $0xFFFFFFFF  }
0x3f: {  	_ =	task.clear_ibuf [dreg:s7], $0x2FFFF;
	_ =	strace $0x9FFFFFFF  }
0x40: {  	(tm) =	ssettm $0x7FFFFFFF  }
0x41: {  	_ =	shalt  }
tec
execute0_lowered:
.L_overlay_start_1:
0x0: {  	(tag) =	ssettag $0x1  }
0x1: {  	s4 =	rddreg [dreg:$0x0]  }
0x2: {  	s2 =	rddreg [dreg:$0x1];
	s1 =	stileid.u32  }
0x3: {  	s3 =	srdreg.scid;
	s0 =	rddreg [dreg:$0x2];
	_ =	strace $0x8000004A  }
0x4: {  	s10 =	simm.s32 $0x2;
	s14 =	simm.s32 $0x0;
	s16 =	simm.s32 $0x0  }
0x5: {  	s12 =	simm.s32 $0x0;
	s15 =	simm.s32 $0x0;
	s3 =	sshll.u32 s3, $0x4  }
0x6: {  	s5 =	sshll.u32 s1, $0x7;
	s4 =	sadd.s32 $0x24200, s4;
	s6 =	sand.u32 $0x10, s3  }
0x7: {  	s3 =	sand.u32 $0x180, s5;
	s5 =	simm.s32 $0x1;
	s8 =	sor.u32 s1, s6  }
0x8: {  	s31 =	ssub.s32 $0xC800, s3;
	[sflag:s5] =	ssyncpa.u1 $0x0;
	s13 =	smov.u32 s3  }
.Ltmp0:
0x9: {  	s7 =	sshll.u32 s8, $0x5;
	s9 =	sand.u32 $0x180, s31;
	(pc) =	sbr.rel .LBB1_1-.Ltmp0, $4  }
0xa: {  	s11 =	sshrl.u32 s31, $0x9;
	p0 =	sne.s32 s9, $0x0;
	s9 =	simm.s32 $0x1  }
0xb: {  	[sflag:s10] =	ssyncpa.u1 $0x0;
	s8 =	sshll.u32 s8, $0x8;
	s9 =	simm.s32 @!p0 $0x0  }
0xc: {  	s10 =	simm.s32 $0x64000;
	s6 =	sand.u32 $0x380, s7;
	s7 =	sadd.s32 s9, s11  }
0xd: {  	p0 =	por $0x0, $0x0;
	s11 =	simm.s32 $0x0;
	s9 =	sadd.s32 $0x1, s7  }
.LBB1_4:
0xe: {  	s22 =	sshrl.u32 s11, $0x3  }
0xf: {  	s23 =	sshll.u32 s12, $0x3;
	s24 =	sand.u32 $0x7F, s12;
	s22 =	smul.u32 $0x64000, s22  }
0x10: {  	v5 =	vld [tilespmem:s18+$0xFFFFFFD0];
	s21 =	sshra.s32 s21, $0x2;
	s25 =	sshra.s32 s12, $0x1F;
	s23 =	sand.u32 $0xFFFFFC00, s23  }
0x11: {  	[tilespmem:s20+$0x2040 ss:$0x81] =	vst.msk $0xffff, v4;
	v58 =	vld [tilespmem:s18+$0xFFFFFFE0];
	p1 =	sgt.s32 s12, $0xC780;
	s25 =	sand.u32 s25, s12;
	s22 =	sadd.s32 s23, s22  }
0x12: {  	[tilespmem:s20+$0x2850 ss:$0x81] =	vst.msk $0xffff, v3;
	v59 =	vld [tilespmem:s18+$0xFFFFFFF0];
	s23 =	sor.u32 s24, s22;
	s22 =	smulhi.u32 $0x51EB851F, s22;
	s24 =	smov.u32 s12  }
0x13: {  	[tilespmem:s20+$0x3060 ss:$0x81] =	vst.msk $0xffff, v2;
	v60 =	vld [tilespmem:s18+$0x0];
	s19 =	sadd.s32 s21, s19;
	s26 =	smulhi.u32 $0x51EB851F, s23;
	s24 =	simm.s32 @!p1 $0xC780  }
0x14: {  	[tilespmem:s20+$0x0 ss:$0x81] =	vst.msk $0xffff, v0;
	v61 =	vld [tilespmem:s18+$0x10];
	p1 =	sgt.s32 s11, $0x368;
	s28 =	sshrl.u32 s22, $0xE;
	s29 =	ssub.s32 s24, s25  }
0x15: {  	[tilespmem:s19+$0x3870 ss:$0x81] =	vst.msk $0xffff, v1;
	s30 =	sshrl.u32 s26, $0xE;
	s31 =	smulhi.u32 $0x418938, s28;
	s25 =	sadd.s32 $0xFFFF3880, s29  }
0x16: {  	v62 =	vld [tilespmem:s18+$0x20];
	[tilespmem:s19+$0x810 ss:$0x81] =	vst.msk $0xffff, v5;
	s22 =	smul.u32 $0xC800, s30;
	p2 =	sgt.s32 s25, $0x7F;
	s25 =	smov.u32 s11  }
0x17: {  	v63 =	vld [tilespmem:s18+$0xFFFFFFC0];
	[tilespmem:s19+$0x1020 ss:$0x81] =	vst.msk $0xffff, v58;
	s21 =	ssub.s32 $0xC800, s29;
	s25 =	simm.s32 @!p1 $0x368;
	s26 =	smul.u32 $0x3E8, s31  }
0x18: {  	[tilespmem:s19+$0x1830 ss:$0x81] =	vst.msk $0xffff, v59;
	s21 =	simm.s32 @p2 $0x0;
	s27 =	ssub.s32 $0x3E8, s25  }
0x19: {  	[tilespmem:s19+$0x2040 ss:$0x81] =	vst.msk $0xffff, v60;
	s22 =	ssub.s32 s23, s22;
	s18 =	ssub.s32 s28, s26;
	s28 =	smul.u32 s27, s21  }
0x1a: {  	[tilespmem:s19+$0x2850 ss:$0x81] =	vst.msk $0xffff, v61;
	s29 =	sshrl.u32 s22, $0x3;
	s22 =	sand.u32 $0x7, s22;
	s18 =	smul.u32 $0x1900, s18  }
0x1b: {  	[tilespmem:s19+$0x3060 ss:$0x81] =	vst.msk $0xffff, v62;
	s21 =	sadd.s32 s2, s29;
	s22 =	sshll.u32 s22, $0x12  }
0x1c: {  	[tilespmem:s19+$0x0 ss:$0x81] =	vst.msk $0xffff, v63;
	s30 =	sand.u32 $0x3FFFFFF8, s28;
	s31 =	sor.u32 $0x400, s22;
	s18 =	sadd.s32 s18, s21  }
0x1d: {  	[hbm4b:s18+s31] =	stream.strided.scatter [tilespmem:s17], [sflag:$0x2], s30, s10, s31, $0x20;
	[tilespmem:$0x10100] =	vst v63  }
.LBB1_5:
0x1e: {  	p1 =	slt.u32 s15, $0x2  }
0x1f: {  	p2 =	sgt.s32 @!p1 s16, $0xC780  }
0x20: {  	s17 =	smov.u32 s16;
	s18 =	sshra.s32 @!p1 s16, $0x1F;
	p2 =	por !p2, p1  }
0x21: {  	s16 =	sand.u32 @!p1 s18, s16;
	s17 =	simm.s32 @p2 $0xC780  }
0x22: {  	s16 =	ssub.s32 @!p1 s17, s16  }
0x23: {  	p2 =	sgt.s32 @!p1 s14, $0x368;
	s17 =	sadd.s32 @!p1 $0xFFFF3880, s16  }
0x24: {  	s18 =	sadd.s32 $0x200, s13;
	p2 =	por !p2, p1;
	p3 =	sgt.s32 @!p1 s17, $0x7F  }
0x25: {  	s14 =	simm.s32 @p2 $0x368;
	s16 =	ssub.s32 @!p1 $0xC800, s16;
	p2 =	por !p3, p1  }
0x26: {  	s14 =	ssub.s32 @!p1 $0x3E8, s14;
	s16 =	simm.s32 @!p2 $0x0;
	p2 =	sgt.s32 s18, $0xC7FF  }
0x27: {  	s14 =	smul.u32 @!p1 s14, s16;
	s18 =	smov.u32 @p2 s3;
	p2 =	sne.s32 s15, s9  }
.Ltmp1:
0x28: {  	s20 =	sadd.s32 $0x1, s15;
	p0 =	por !p0, !p0;
	(pc) =	sbr.rel @!p2 .LBB1_6-.Ltmp1, $4  }
0x29: {  	s17 =	simm.s32 @!p1 $0x2;
	s16 =	smov.u32 s12;
	s14 =	sand.u32 @!p1 $0x3FFFFFFF, s14  }
0x2a: {  	s12 =	smov.u32 s13;
	s15 =	smov.u32 s20;
	_ =	swait.ge @!p1 [sflag:s17], s14  }
0x2b: {  	s13 =	smov.u32 s18;
	s19 =	ssub.s32 @!p1 $0x0, s14;
	[sflag:s17] =	ssyncset.done @!p1 $0x0  }
0x2c: {  	s14 =	smov.u32 s11;
	s11 =	smov.u32 s6;
	[sflag:s17] =	ssyncadd.s32 @!p1 s19  }
.LBB1_1:
0x2d: {  	p1 =	sge.u32 s15, s7  }
0x2e: {  	s17 =	sshll.u32 @!p1 s13, $0xA  }
0x2f: {  	s17 =	sand.u32 @!p1 $0xFFFFE000, s17  }
0x30: {  	s17 =	sor.u32 @!p1 s8, s17  }
0x31: {  	s17 =	sshrl.u32 @!p1 s17, $0xA  }
0x32: {  	s18 =	smulhi.u32 @!p1 $0x28F5C3, s17;
	_ =	sdelay $0x1  }
0x33: {  	s18 =	sshrl.u32 @!p1 s18, $0x5  }
0x34: {  	s18 =	smul.u32 @!p1 $0xC800, s18  }
0x35: {  	s31 =	sadd.s32 $0xFFFFFFFF, s15;
	s19 =	sxor.u32 @!p1 $0xFFFFFFFF, s15;
	s20 =	sshll.u32 @!p1 s13, $0x4  }
0x36: {  	s19 =	sshll.u32 @!p1 s19, $0xE;
	s17 =	ssub.s32 @!p1 s17, s18;
	s18 =	sand.u32 @!p1 $0x70, s20  }
0x37: {  	s19 =	sand.u32 @!p1 $0x4000, s19;
	s17 =	sshll.u32 @!p1 s17, $0x7;
	s18 =	sadd.s32 @!p1 s4, s18  }
0x38: {  	s20 =	simm.s32 @!p1 $0x2000;
	s17 =	sadd.s32 @!p1 s17, s18;
	s18 =	simm.s32 @!p1 $0x400  }
0x39: {  	[tilespmem:s19], [sflag:$0x1] =	stream.strided.gather @!p1 [hbm4b:s17+s18], $0x4000, s20, s18, $0x38;
	[tilespmem:$0x10100] =	vst v63  }
0x3a: {  	p1 =	sge.u32 s31, s7  }
.Ltmp2:
0x3b: {  	_ = 	snop;
	(pc) =	sbr.rel @p1 .LBB1_5-.Ltmp2, $1  }
0x3c: {  	_ =	sdelay $0x3  }
0x3d: {  	s17 =	simm.s32 $0x1  }
0x3e: {  	_ =	swait.ge [sflag:s5], $0x4000;
	s17 =	simm.s32 @!p0 $0x0  }
0x3f: {  	[sflag:s5] =	ssyncset.done $0x0;
	s18 =	sshll.u32 s17, $0xE  }
0x40: {  	[sflag:s5] =	ssyncadd.s32 $0xFFFFC000;
	s18 =	sor.u32 $0x40, s18  }
0x41: {  	s17 =	smul.u32 $0x10200, s17;
	v0 =	vld [tilespmem:s18+$0x30]  }
0x42: {  	v1 =	vld [tilespmem:s18+$0xFFFFFFD0]  }
0x43: {  	s17 =	sshrl.u32 s17, $0x2;
	v5 =	vld [tilespmem:s18+$0xFFFFFFE0]  }
0x44: {  	v6 =	vld [tilespmem:s18+$0xFFFFFFF0];
	s19 =	sor.u32 $0x8000, s17  }
0x45: {  	s31 =	sand.u32 $0x1, s15;
	v4 =	vld [tilespmem:s18+$0x0];
	s20 =	sadd.s32 $0x0, s19  }
0x46: {  	v3 =	vld [tilespmem:s18+$0x10];
	s17 =	smul.u32 $0x10200, s31;
	[tilespmem:s20+$0x3870 ss:$0x81] =	vst.msk $0xffff, v0  }
0x47: {  	v2 =	vld [tilespmem:s18+$0x20];
	[tilespmem:s20+$0x810 ss:$0x81] =	vst.msk $0xffff, v1  }
0x48: {  	s17 =	sshrl.u32 s17, $0x2;
	v0 =	vld [tilespmem:s18+$0xFFFFFFC0];
	[tilespmem:s20+$0x1020 ss:$0x81] =	vst.msk $0xffff, v5;
	s18 =	sadd.s32 $0x80, s18  }
0x49: {  	s21 =	simm.s32 $0x4;
	s22 =	simm.s32 $0x8;
	s17 =	sor.u32 $0x8000, s17;
	[tilespmem:s20+$0x1830 ss:$0x81] =	vst.msk $0xffff, v6;
	v1 =	vld [tilespmem:s18+$0x30]  }
.LBB1_3:
0x4a: {  	p1 =	sne.s32 s22, $0x1FC;
	v5 =	vld [tilespmem:s18+$0xFFFFFFD0];
	[tilespmem:s20+$0x2040 ss:$0x81] =	vst.msk $0xffff, v4  }
0x4b: {  	v6 =	vld [tilespmem:s18+$0xFFFFFFE0];
	[tilespmem:s20+$0x2850 ss:$0x81] =	vst.msk $0xffff, v3  }
0x4c: {  	s23 =	sshra.s32 s21, $0x2;
	s21 =	smov.u32 s22;
	v7 =	vld [tilespmem:s18+$0xFFFFFFF0];
	[tilespmem:s20+$0x3060 ss:$0x81] =	vst.msk $0xffff, v2  }
.Ltmp3:
0x4d: {  	v4 =	vld [tilespmem:s18+$0x0];
	[tilespmem:s20+$0x0 ss:$0x81] =	vst.msk $0xffff, v0;
	s20 =	sadd.s32 s23, s19;
	(pc) =	sbr.rel @p1 .LBB1_3-.Ltmp3, $4  }
0x4e: {  	v3 =	vld [tilespmem:s18+$0x10];
	[tilespmem:s20+$0x3870 ss:$0x81] =	vst.msk $0xffff, v1  }
0x4f: {  	[tilespmem:s20+$0x810 ss:$0x81] =	vst.msk $0xffff, v5;
	v2 =	vld [tilespmem:s18+$0x20]  }
0x50: {  	v0 =	vld [tilespmem:s18+$0xFFFFFFC0];
	[tilespmem:s20+$0x1020 ss:$0x81] =	vst.msk $0xffff, v6;
	s18 =	sadd.s32 $0x80, s18  }
0x51: {  	s22 =	sadd.s32 $0x4, s22;
	v1 =	vld [tilespmem:s18+$0x30];
	[tilespmem:s20+$0x1830 ss:$0x81] =	vst.msk $0xffff, v7  }
.Ltmp4:
0x52: {  	_ = 	snop;
	(pc) =	sbr.rel .LBB1_4-.Ltmp4, $1  }
0x53: {  	_ =	sdelay $0x3  }
.LBB1_6:
0x54: {  	_ =	sfence.sel $0x180000  }
0x55: {  	s2 =	simm.s32 $0x1;
	[bflag:$0x0] =	sbarrier.arrive $0xFFFF  }
0x56: {  	s31 =	simm.s32 $0x2;
	[sflag:s2] =	ssyncpa.u1 $0x1  }
0x57: {  	[sflag:s31] =	ssyncpa.u1 $0x1  }
0x58: {  	p0 =	sne.s32 s1, $0x0;
	_ =	strace $0x9000004A  }
0x59: {  	s0 =	sadd.s32 @!p0 $0x100000, s0;
	[bflag:$0x2] =	sbarrier.arrive $0xFFFF  }
0x5a: {  	[sflag:s0] =	ssyncadd.tile.s32 @!p0 $0x1;
	_ =	shalt  }
.Lfunc_end1:
_tile_overlayer_lowered:
.L_overlay_start_2:
0x5b: {  	(tag) =	ssettag $0x2  }
0x5c: {  	s0 =	rddreg [dreg:$0x0];
	s2 =	stileid.u32  }
0x5d: {  	s1 =	rddreg [dreg:$0x1];
	p0 =	sne.s32 s2, $0x0  }
0x5e: {  	s3 =	rddreg [dreg:$0x2];
	[bflag:$0x3] =	sbarrier.arrive $0xFFFF;
	s2 =	simm.s32 @!p0 $0x1C01  }
0x5f: {  	[timem:s3], [sflag:s2] =	dma.local @!p0 [hbm:s0], s1  }
0x60: {  	s0 =	simm.s32 @!p0 $0x1  }
0x61: {  	_ =	swait.ge @!p0 [sflag:s0], s1  }
0x62: {  	s1 =	ssub.s32 @!p0 $0x0, s1;
	[sflag:s0] =	ssyncset.done @!p0 $0x0  }
0x63: {  	[sflag:s0] =	ssyncadd.s32 @!p0 s1  }
0x64: {  	[bflag:$0x3] =	sbarrier.arrive $0xFFFF  }
0x65: {  	_ =	shalt  }

</sc_bundles>
